<compile_context>
chip_gen: v7x
topology: tpu7x:2x2x1
jax: 0.10.2.dev20260603
libtpu: 0.0.44.dev20260713+nightly
codegen_flags: <defaults>
</compile_context>

<pallas_src>
import functools

import jax
import jax.numpy as jnp
from jax import lax
from jax.experimental import pallas as pl
from jax.experimental.pallas import tpu as pltpu
from jax.experimental.pallas import tpu_sc as plsc

WORLD_SIZE = 8
LOCAL_SPLIT = 26
STRIDE = 16384
T = WORLD_SIZE * LOCAL_SPLIT

NC, NS = 2, 16
NW = NC * NS
CHUNK = 8192
CHUNKS_PER_ROW = STRIDE // CHUNK
N_CHUNKS = T * CHUNKS_PER_ROW
CPW = N_CHUNKS // NW
SLAB = CPW * CHUNK


@functools.partial(
    pl.kernel,
    out_type=jax.ShapeDtypeStruct((T * STRIDE,), jnp.float32),
    mesh=plsc.VectorSubcoreMesh(core_axis_name="c", subcore_axis_name="s"),
    scratch_types=[
        pltpu.VMEM((SLAB,), jnp.float32),
        pltpu.SemaphoreType.DMA,
        pltpu.SemaphoreType.DMA,
    ],
)
def _sc_permute(vals_hbm, out_hbm, buf, sem_in, sem_out):
    wid = lax.axis_index("s") * NC + lax.axis_index("c")
    c0 = wid * CPW
    copies_in = []
    for k in range(CPW):
        c = c0 + k
        t = c // CHUNKS_PER_ROW
        h = c % CHUNKS_PER_ROW
        i = t // WORLD_SIZE
        j = t % WORLD_SIZE
        src = (j * LOCAL_SPLIT + i) * STRIDE + h * CHUNK
        cin = pltpu.make_async_copy(
            vals_hbm.at[pl.ds(src, CHUNK)], buf.at[pl.ds(k * CHUNK, CHUNK)],
            sem_in)
        copies_in.append(cin)
        cin.start()
    for k in range(CPW):
        copies_in[k].wait()
    cout = pltpu.make_async_copy(
        buf, out_hbm.at[pl.ds(c0 * CHUNK, SLAB)], sem_out)
    cout.start()
    cout.wait()


def _ones_fill_body(len_ref, ones, sem_len):
    ones[...] = jnp.ones_like(ones)
    copies = [
        pltpu.make_async_copy(ones, len_ref.at[j], sem_len.at[j])
        for j in range(WORLD_SIZE)
    ]
    for c in copies:
        c.start()
    for c in copies:
        c.wait()


def _ones_fill(dtype):
    return pl.pallas_call(
        _ones_fill_body,
        in_specs=[],
        out_specs=pl.BlockSpec(memory_space=pltpu.MemorySpace.HBM),
        out_shape=jax.ShapeDtypeStruct((WORLD_SIZE, LOCAL_SPLIT, 128, 128), dtype),
        scratch_shapes=[
            pltpu.VMEM((LOCAL_SPLIT, 128, 128), jnp.int32),
            pltpu.SemaphoreType.DMA((WORLD_SIZE,)),
        ],
    )()


def kernel(lengths, values):
    out_values = _sc_permute(values)
    out_lengths = _ones_fill(lengths.dtype).reshape(-1)
    return out_lengths, out_values

# --- scband reference (transcript-rebuilt; emitter-appended) ---
"""Pipeline reference for scband-kjtall-to-all-25804163515016 (READ-ONLY COPY).

The authoritative reference and input builder live on the scoring server;
editing this copy changes nothing except your own understanding.
"""

import jax, jax.numpy as jnp
import numpy as np

WORLD_SIZE = 8
LOCAL_SPLIT = 26  # splits[rank] features kept on this rank after a2a
STRIDE = 16384    # KJT stride (batch size)
STAGGER = 1
T = WORLD_SIZE * LOCAL_SPLIT  # 208 feature-rows after lengths all2all


def _recat(local_split, num_splits, stagger=1):
    # identical to torchrec's _recat
    feature_order = [x + num_splits // stagger * y
                     for x in range(num_splits // stagger)
                     for y in range(stagger)]
    recat = []
    for i in range(local_split):
        for j in feature_order:
            recat.append(i + j * local_split)
    return np.array(recat, dtype=np.int64)


def setup_inputs(seed: int = 0) -> dict:
    key = jax.random.key(seed)
    # post-all2all gathered lengths: one entry per (worker, feature, batch-slot).
    # KJT bag sizes; fixed at 1 so total values is static/deterministic.
    lengths = jnp.ones([T * STRIDE], dtype=jnp.int32)
    values = jax.random.normal(jax.random.fold_in(key, 1), [T * STRIDE], dtype=jnp.float32)
    return {"lengths": lengths, "values": values}


def reference(lengths, values):
    # Simulates the local compute of KJTAllToAllAwaitable.wait() on one rank:
    # `lengths`/`values` are the buffers produced by the two all_to_all_single
    # collectives (pure data movement); the module then applies the recat
    # permutation (fbgemm.permute_sparse_data) to reorder from worker-major to
    # feature-major order.
    recat = jnp.asarray(_recat(LOCAL_SPLIT, WORLD_SIZE, STAGGER))
    lengths2d = lengths.reshape(T, STRIDE)
    row_lens = lengths2d.sum(axis=1)                      # jagged size per feature-row
    in_off = jnp.concatenate([jnp.zeros(1, row_lens.dtype), jnp.cumsum(row_lens)])
    perm_row_lens = row_lens[recat]
    out_off = jnp.concatenate([jnp.zeros(1, perm_row_lens.dtype), jnp.cumsum(perm_row_lens)])
    e = jnp.arange(values.shape[0])
    r = jnp.searchsorted(out_off[1:], e, side='right')    # output row of each element
    src = in_off[recat[r]] + (e - out_off[r])             # gather index into input values
    out_values = jnp.take(values, src, axis=0)
    out_lengths = lengths2d[recat].reshape(-1)
    return out_lengths, out_values

if __name__ == "__main__":
    import jax
    _d = setup_inputs()
    print(jax.jit(kernel)(*tuple(_d.values())))

</pallas_src>

<mosaic_0001>
#map = affine_map<(d0, d1) -> (0)>
module attributes {stable_mosaic.version = 14 : i64} {
  func.func @_sc_permute(%arg0: i32, %arg1: i32, %arg2: memref<3407872xf32, #tpu.memory_space<hbm>>, %arg3: memref<3407872xf32, #tpu.memory_space<hbm>>, %arg4: memref<106496xf32, #tpu.memory_space<vmem>>, %arg5: memref<!tpu.dma_semaphore, #tpu.memory_space<semaphore_mem>>, %arg6: memref<!tpu.dma_semaphore, #tpu.memory_space<semaphore_mem>>) attributes {dimension_semantics = [#tpu.dimension_semantics<core_parallel>, #tpu.dimension_semantics<subcore_parallel>], iteration_bounds = array<i64: 2, 16>, scalar_prefetch = 0 : i64, scratch_operands = 3 : i64, tpu.core_type = #tpu.core_type<sc_vector_subcore>, window_params = [{transform_indices = #map}, {transform_indices = #map}]} {
    %mul3A = arith.constant 2 : i32
    %mul3A_0 = arith.muli %arg1, %mul3A : i32
    %add3A = arith.addi %mul3A_0, %arg0 : i32
    %mul3A_1 = arith.constant 13 : i32
    %mul3A_2 = arith.muli %add3A, %mul3A_1 : i32
    %add3A_3 = arith.constant 0 : i32
    %add3A_4 = arith.addi %mul3A_2, %add3A_3 : i32
    %jit3A = arith.constant 2 : i32
    %div3A = arith.divsi %add3A_4, %jit3A : i32
    %sign3A = arith.constant 0 : i32
    %sign3A_5 = arith.cmpi sgt, %add3A_4, %sign3A : i32
    %sign3A_6 = arith.extui %sign3A_5 : i1 to i32
    %sign3A_7 = arith.constant 0 : i32
    %sign3A_8 = arith.cmpi slt, %add3A_4, %sign3A_7 : i32
    %sign3A_9 = arith.extui %sign3A_8 : i1 to i32
    %sign3A_10 = arith.subi %sign3A_6, %sign3A_9 : i32
    %sign3A_11 = arith.constant 0 : i32
    %sign3A_12 = arith.cmpi sgt, %jit3A, %sign3A_11 : i32
    %sign3A_13 = arith.extui %sign3A_12 : i1 to i32
    %sign3A_14 = arith.constant 0 : i32
    %sign3A_15 = arith.cmpi slt, %jit3A, %sign3A_14 : i32
    %sign3A_16 = arith.extui %sign3A_15 : i1 to i32
    %sign3A_17 = arith.subi %sign3A_13, %sign3A_16 : i32
    %ne3A = arith.cmpi ne, %sign3A_10, %sign3A_17 : i32
    %rem3A = arith.remsi %add3A_4, %jit3A : i32
    %ne3A_18 = arith.constant 0 : i32
    %ne3A_19 = arith.cmpi ne, %rem3A, %ne3A_18 : i32
    %and3A = arith.andi %ne3A, %ne3A_19 : i1
    %sub3A = arith.constant 1 : i32
    %sub3A_20 = arith.subi %div3A, %sub3A : i32
    %select_n3A = arith.select %and3A, %sub3A_20, %div3A : i32
    %jit3A_21 = arith.constant 2 : i32
    %eq3A = arith.constant 0 : i32
    %eq3A_22 = arith.cmpi eq, %jit3A_21, %eq3A : i32
    %jit3A_23 = arith.constant 1 : i32
    %select_n3A_24 = arith.select %eq3A_22, %jit3A_23, %jit3A_21 : i32
    %rem3A_25 = arith.remsi %add3A_4, %select_n3A_24 : i32
    %ne3A_26 = arith.constant 0 : i32
    %ne3A_27 = arith.cmpi ne, %rem3A_25, %ne3A_26 : i32
    %lt3A = arith.constant 0 : i32
    %lt3A_28 = arith.cmpi slt, %rem3A_25, %lt3A : i32
    %lt3A_29 = arith.constant 0 : i32
    %lt3A_30 = arith.cmpi slt, %select_n3A_24, %lt3A_29 : i32
    %ne3A_31 = arith.xori %lt3A_28, %lt3A_30 : i1
    %and3A_32 = arith.andi %ne3A_31, %ne3A_27 : i1
    %add3A_33 = arith.addi %rem3A_25, %select_n3A_24 : i32
    %select_n3A_34 = arith.select %and3A_32, %add3A_33, %rem3A_25 : i32
    %jit3A_35 = arith.constant 8 : i32
    %div3A_36 = arith.divsi %select_n3A, %jit3A_35 : i32
    %sign3A_37 = arith.constant 0 : i32
    %sign3A_38 = arith.cmpi sgt, %select_n3A, %sign3A_37 : i32
    %sign3A_39 = arith.extui %sign3A_38 : i1 to i32
    %sign3A_40 = arith.constant 0 : i32
    %sign3A_41 = arith.cmpi slt, %select_n3A, %sign3A_40 : i32
    %sign3A_42 = arith.extui %sign3A_41 : i1 to i32
    %sign3A_43 = arith.subi %sign3A_39, %sign3A_42 : i32
    %sign3A_44 = arith.constant 0 : i32
    %sign3A_45 = arith.cmpi sgt, %jit3A_35, %sign3A_44 : i32
    %sign3A_46 = arith.extui %sign3A_45 : i1 to i32
    %sign3A_47 = arith.constant 0 : i32
    %sign3A_48 = arith.cmpi slt, %jit3A_35, %sign3A_47 : i32
    %sign3A_49 = arith.extui %sign3A_48 : i1 to i32
    %sign3A_50 = arith.subi %sign3A_46, %sign3A_49 : i32
    %ne3A_51 = arith.cmpi ne, %sign3A_43, %sign3A_50 : i32
    %rem3A_52 = arith.remsi %select_n3A, %jit3A_35 : i32
    %ne3A_53 = arith.constant 0 : i32
    %ne3A_54 = arith.cmpi ne, %rem3A_52, %ne3A_53 : i32
    %and3A_55 = arith.andi %ne3A_51, %ne3A_54 : i1
    %sub3A_56 = arith.constant 1 : i32
    %sub3A_57 = arith.subi %div3A_36, %sub3A_56 : i32
    %select_n3A_58 = arith.select %and3A_55, %sub3A_57, %div3A_36 : i32
    %jit3A_59 = arith.constant 8 : i32
    %eq3A_60 = arith.constant 0 : i32
    %eq3A_61 = arith.cmpi eq, %jit3A_59, %eq3A_60 : i32
    %jit3A_62 = arith.constant 1 : i32
    %select_n3A_63 = arith.select %eq3A_61, %jit3A_62, %jit3A_59 : i32
    %rem3A_64 = arith.remsi %select_n3A, %select_n3A_63 : i32
    %ne3A_65 = arith.constant 0 : i32
    %ne3A_66 = arith.cmpi ne, %rem3A_64, %ne3A_65 : i32
    %lt3A_67 = arith.constant 0 : i32
    %lt3A_68 = arith.cmpi slt, %rem3A_64, %lt3A_67 : i32
    %lt3A_69 = arith.constant 0 : i32
    %lt3A_70 = arith.cmpi slt, %select_n3A_63, %lt3A_69 : i32
    %ne3A_71 = arith.xori %lt3A_68, %lt3A_70 : i1
    %and3A_72 = arith.andi %ne3A_71, %ne3A_66 : i1
    %add3A_73 = arith.addi %rem3A_64, %select_n3A_63 : i32
    %select_n3A_74 = arith.select %and3A_72, %add3A_73, %rem3A_64 : i32
    %mul3A_75 = arith.constant 26 : i32
    %mul3A_76 = arith.muli %select_n3A_74, %mul3A_75 : i32
    %add3A_77 = arith.addi %mul3A_76, %select_n3A_58 : i32
    %mul3A_78 = arith.constant 16384 : i32
    %mul3A_79 = arith.muli %add3A_77, %mul3A_78 : i32
    %mul3A_80 = arith.constant 8192 : i32
    %mul3A_81 = arith.muli %select_n3A_34, %mul3A_80 : i32
    %add3A_82 = arith.addi %mul3A_79, %mul3A_81 : i32
    %dma_start3A = arith.constant 0 : i32
    %dma_start3A_83 = tpu.memref_slice %arg4[%dma_start3A] : memref<106496xf32, #tpu.memory_space<vmem>> -> memref<8192xf32, #tpu.memory_space<vmem>>
    %dma_start3A_84 = tpu.memref_slice %arg2[%add3A_82] : memref<3407872xf32, #tpu.memory_space<hbm>> -> memref<8192xf32, #tpu.memory_space<hbm>>
    %dma_start3A_85 = arith.constant 0 : i32
    %dma_start3A_86 = tpu.memref_slice %arg4[%dma_start3A_85] : memref<106496xf32, #tpu.memory_space<vmem>> -> memref<8192xf32, #tpu.memory_space<vmem>>
    %dma_start3A_87 = tpu.memref_slice %arg2[%add3A_82] : memref<3407872xf32, #tpu.memory_space<hbm>> -> memref<8192xf32, #tpu.memory_space<hbm>>
    tpu.enqueue_dma source(%dma_start3A_87 : memref<8192xf32, #tpu.memory_space<hbm>>) target(%dma_start3A_86 : memref<8192xf32, #tpu.memory_space<vmem>>) target_semaphore(%arg5 : memref<!tpu.dma_semaphore, #tpu.memory_space<semaphore_mem>>)
    %add3A_88 = arith.constant 1 : i32
    %add3A_89 = arith.addi %mul3A_2, %add3A_88 : i32
    %jit3A_90 = arith.constant 2 : i32
    %div3A_91 = arith.divsi %add3A_89, %jit3A_90 : i32
    %sign3A_92 = arith.constant 0 : i32
    %sign3A_93 = arith.cmpi sgt, %add3A_89, %sign3A_92 : i32
    %sign3A_94 = arith.extui %sign3A_93 : i1 to i32
    %sign3A_95 = arith.constant 0 : i32
    %sign3A_96 = arith.cmpi slt, %add3A_89, %sign3A_95 : i32
    %sign3A_97 = arith.extui %sign3A_96 : i1 to i32
    %sign3A_98 = arith.subi %sign3A_94, %sign3A_97 : i32
    %sign3A_99 = arith.constant 0 : i32
    %sign3A_100 = arith.cmpi sgt, %jit3A_90, %sign3A_99 : i32
    %sign3A_101 = arith.extui %sign3A_100 : i1 to i32
    %sign3A_102 = arith.constant 0 : i32
    %sign3A_103 = arith.cmpi slt, %jit3A_90, %sign3A_102 : i32
    %sign3A_104 = arith.extui %sign3A_103 : i1 to i32
    %sign3A_105 = arith.subi %sign3A_101, %sign3A_104 : i32
    %ne3A_106 = arith.cmpi ne, %sign3A_98, %sign3A_105 : i32
    %rem3A_107 = arith.remsi %add3A_89, %jit3A_90 : i32
    %ne3A_108 = arith.constant 0 : i32
    %ne3A_109 = arith.cmpi ne, %rem3A_107, %ne3A_108 : i32
    %and3A_110 = arith.andi %ne3A_106, %ne3A_109 : i1
    %sub3A_111 = arith.constant 1 : i32
    %sub3A_112 = arith.subi %div3A_91, %sub3A_111 : i32
    %select_n3A_113 = arith.select %and3A_110, %sub3A_112, %div3A_91 : i32
    %jit3A_114 = arith.constant 2 : i32
    %eq3A_115 = arith.constant 0 : i32
    %eq3A_116 = arith.cmpi eq, %jit3A_114, %eq3A_115 : i32
    %jit3A_117 = arith.constant 1 : i32
    %select_n3A_118 = arith.select %eq3A_116, %jit3A_117, %jit3A_114 : i32
    %rem3A_119 = arith.remsi %add3A_89, %select_n3A_118 : i32
    %ne3A_120 = arith.constant 0 : i32
    %ne3A_121 = arith.cmpi ne, %rem3A_119, %ne3A_120 : i32
    %lt3A_122 = arith.constant 0 : i32
    %lt3A_123 = arith.cmpi slt, %rem3A_119, %lt3A_122 : i32
    %lt3A_124 = arith.constant 0 : i32
    %lt3A_125 = arith.cmpi slt, %select_n3A_118, %lt3A_124 : i32
    %ne3A_126 = arith.xori %lt3A_123, %lt3A_125 : i1
    %and3A_127 = arith.andi %ne3A_126, %ne3A_121 : i1
    %add3A_128 = arith.addi %rem3A_119, %select_n3A_118 : i32
    %select_n3A_129 = arith.select %and3A_127, %add3A_128, %rem3A_119 : i32
    %jit3A_130 = arith.constant 8 : i32
    %div3A_131 = arith.divsi %select_n3A_113, %jit3A_130 : i32
    %sign3A_132 = arith.constant 0 : i32
    %sign3A_133 = arith.cmpi sgt, %select_n3A_113, %sign3A_132 : i32
    %sign3A_134 = arith.extui %sign3A_133 : i1 to i32
    %sign3A_135 = arith.constant 0 : i32
    %sign3A_136 = arith.cmpi slt, %select_n3A_113, %sign3A_135 : i32
    %sign3A_137 = arith.extui %sign3A_136 : i1 to i32
    %sign3A_138 = arith.subi %sign3A_134, %sign3A_137 : i32
    %sign3A_139 = arith.constant 0 : i32
    %sign3A_140 = arith.cmpi sgt, %jit3A_130, %sign3A_139 : i32
    %sign3A_141 = arith.extui %sign3A_140 : i1 to i32
    %sign3A_142 = arith.constant 0 : i32
    %sign3A_143 = arith.cmpi slt, %jit3A_130, %sign3A_142 : i32
    %sign3A_144 = arith.extui %sign3A_143 : i1 to i32
    %sign3A_145 = arith.subi %sign3A_141, %sign3A_144 : i32
    %ne3A_146 = arith.cmpi ne, %sign3A_138, %sign3A_145 : i32
    %rem3A_147 = arith.remsi %select_n3A_113, %jit3A_130 : i32
    %ne3A_148 = arith.constant 0 : i32
    %ne3A_149 = arith.cmpi ne, %rem3A_147, %ne3A_148 : i32
    %and3A_150 = arith.andi %ne3A_146, %ne3A_149 : i1
    %sub3A_151 = arith.constant 1 : i32
    %sub3A_152 = arith.subi %div3A_131, %sub3A_151 : i32
    %select_n3A_153 = arith.select %and3A_150, %sub3A_152, %div3A_131 : i32
    %jit3A_154 = arith.constant 8 : i32
    %eq3A_155 = arith.constant 0 : i32
    %eq3A_156 = arith.cmpi eq, %jit3A_154, %eq3A_155 : i32
    %jit3A_157 = arith.constant 1 : i32
    %select_n3A_158 = arith.select %eq3A_156, %jit3A_157, %jit3A_154 : i32
    %rem3A_159 = arith.remsi %select_n3A_113, %select_n3A_158 : i32
    %ne3A_160 = arith.constant 0 : i32
    %ne3A_161 = arith.cmpi ne, %rem3A_159, %ne3A_160 : i32
    %lt3A_162 = arith.constant 0 : i32
    %lt3A_163 = arith.cmpi slt, %rem3A_159, %lt3A_162 : i32
    %lt3A_164 = arith.constant 0 : i32
    %lt3A_165 = arith.cmpi slt, %select_n3A_158, %lt3A_164 : i32
    %ne3A_166 = arith.xori %lt3A_163, %lt3A_165 : i1
    %and3A_167 = arith.andi %ne3A_166, %ne3A_161 : i1
    %add3A_168 = arith.addi %rem3A_159, %select_n3A_158 : i32
    %select_n3A_169 = arith.select %and3A_167, %add3A_168, %rem3A_159 : i32
    %mul3A_170 = arith.constant 26 : i32
    %mul3A_171 = arith.muli %select_n3A_169, %mul3A_170 : i32
    %add3A_172 = arith.addi %mul3A_171, %select_n3A_153 : i32
    %mul3A_173 = arith.constant 16384 : i32
    %mul3A_174 = arith.muli %add3A_172, %mul3A_173 : i32
    %mul3A_175 = arith.constant 8192 : i32
    %mul3A_176 = arith.muli %select_n3A_129, %mul3A_175 : i32
    %add3A_177 = arith.addi %mul3A_174, %mul3A_176 : i32
    %dma_start3A_178 = arith.constant 8192 : i32
    %dma_start3A_179 = tpu.memref_slice %arg4[%dma_start3A_178] : memref<106496xf32, #tpu.memory_space<vmem>> -> memref<8192xf32, #tpu.memory_space<vmem>>
    %dma_start3A_180 = tpu.memref_slice %arg2[%add3A_177] : memref<3407872xf32, #tpu.memory_space<hbm>> -> memref<8192xf32, #tpu.memory_space<hbm>>
    %dma_start3A_181 = arith.constant 8192 : i32
    %dma_start3A_182 = tpu.memref_slice %arg4[%dma_start3A_181] : memref<106496xf32, #tpu.memory_space<vmem>> -> memref<8192xf32, #tpu.memory_space<vmem>>
    %dma_start3A_183 = tpu.memref_slice %arg2[%add3A_177] : memref<3407872xf32, #tpu.memory_space<hbm>> -> memref<8192xf32, #tpu.memory_space<hbm>>
    tpu.enqueue_dma source(%dma_start3A_183 : memref<8192xf32, #tpu.memory_space<hbm>>) target(%dma_start3A_182 : memref<8192xf32, #tpu.memory_space<vmem>>) target_semaphore(%arg5 : memref<!tpu.dma_semaphore, #tpu.memory_space<semaphore_mem>>)
    %add3A_184 = arith.constant 2 : i32
    %add3A_185 = arith.addi %mul3A_2, %add3A_184 : i32
    %jit3A_186 = arith.constant 2 : i32
    %div3A_187 = arith.divsi %add3A_185, %jit3A_186 : i32
    %sign3A_188 = arith.constant 0 : i32
    %sign3A_189 = arith.cmpi sgt, %add3A_185, %sign3A_188 : i32
    %sign3A_190 = arith.extui %sign3A_189 : i1 to i32
    %sign3A_191 = arith.constant 0 : i32
    %sign3A_192 = arith.cmpi slt, %add3A_185, %sign3A_191 : i32
    %sign3A_193 = arith.extui %sign3A_192 : i1 to i32
    %sign3A_194 = arith.subi %sign3A_190, %sign3A_193 : i32
    %sign3A_195 = arith.constant 0 : i32
    %sign3A_196 = arith.cmpi sgt, %jit3A_186, %sign3A_195 : i32
    %sign3A_197 = arith.extui %sign3A_196 : i1 to i32
    %sign3A_198 = arith.constant 0 : i32
    %sign3A_199 = arith.cmpi slt, %jit3A_186, %sign3A_198 : i32
    %sign3A_200 = arith.extui %sign3A_199 : i1 to i32
    %sign3A_201 = arith.subi %sign3A_197, %sign3A_200 : i32
    %ne3A_202 = arith.cmpi ne, %sign3A_194, %sign3A_201 : i32
    %rem3A_203 = arith.remsi %add3A_185, %jit3A_186 : i32
    %ne3A_204 = arith.constant 0 : i32
    %ne3A_205 = arith.cmpi ne, %rem3A_203, %ne3A_204 : i32
    %and3A_206 = arith.andi %ne3A_202, %ne3A_205 : i1
    %sub3A_207 = arith.constant 1 : i32
    %sub3A_208 = arith.subi %div3A_187, %sub3A_207 : i32
    %select_n3A_209 = arith.select %and3A_206, %sub3A_208, %div3A_187 : i32
    %jit3A_210 = arith.constant 2 : i32
    %eq3A_211 = arith.constant 0 : i32
    %eq3A_212 = arith.cmpi eq, %jit3A_210, %eq3A_211 : i32
    %jit3A_213 = arith.constant 1 : i32
    %select_n3A_214 = arith.select %eq3A_212, %jit3A_213, %jit3A_210 : i32
    %rem3A_215 = arith.remsi %add3A_185, %select_n3A_214 : i32
    %ne3A_216 = arith.constant 0 : i32
    %ne3A_217 = arith.cmpi ne, %rem3A_215, %ne3A_216 : i32
    %lt3A_218 = arith.constant 0 : i32
    %lt3A_219 = arith.cmpi slt, %rem3A_215, %lt3A_218 : i32
    %lt3A_220 = arith.constant 0 : i32
    %lt3A_221 = arith.cmpi slt, %select_n3A_214, %lt3A_220 : i32
    %ne3A_222 = arith.xori %lt3A_219, %lt3A_221 : i1
    %and3A_223 = arith.andi %ne3A_222, %ne3A_217 : i1
    %add3A_224 = arith.addi %rem3A_215, %select_n3A_214 : i32
    %select_n3A_225 = arith.select %and3A_223, %add3A_224, %rem3A_215 : i32
    %jit3A_226 = arith.constant 8 : i32
    %div3A_227 = arith.divsi %select_n3A_209, %jit3A_226 : i32
    %sign3A_228 = arith.constant 0 : i32
    %sign3A_229 = arith.cmpi sgt, %select_n3A_209, %sign3A_228 : i32
    %sign3A_230 = arith.extui %sign3A_229 : i1 to i32
    %sign3A_231 = arith.constant 0 : i32
    %sign3A_232 = arith.cmpi slt, %select_n3A_209, %sign3A_231 : i32
    %sign3A_233 = arith.extui %sign3A_232 : i1 to i32
    %sign3A_234 = arith.subi %sign3A_230, %sign3A_233 : i32
    %sign3A_235 = arith.constant 0 : i32
    %sign3A_236 = arith.cmpi sgt, %jit3A_226, %sign3A_235 : i32
    %sign3A_237 = arith.extui %sign3A_236 : i1 to i32
    %sign3A_238 = arith.constant 0 : i32
    %sign3A_239 = arith.cmpi slt, %jit3A_226, %sign3A_238 : i32
    %sign3A_240 = arith.extui %sign3A_239 : i1 to i32
    %sign3A_241 = arith.subi %sign3A_237, %sign3A_240 : i32
    %ne3A_242 = arith.cmpi ne, %sign3A_234, %sign3A_241 : i32
    %rem3A_243 = arith.remsi %select_n3A_209, %jit3A_226 : i32
    %ne3A_244 = arith.constant 0 : i32
    %ne3A_245 = arith.cmpi ne, %rem3A_243, %ne3A_244 : i32
    %and3A_246 = arith.andi %ne3A_242, %ne3A_245 : i1
    %sub3A_247 = arith.constant 1 : i32
    %sub3A_248 = arith.subi %div3A_227, %sub3A_247 : i32
    %select_n3A_249 = arith.select %and3A_246, %sub3A_248, %div3A_227 : i32
    %jit3A_250 = arith.constant 8 : i32
    %eq3A_251 = arith.constant 0 : i32
    %eq3A_252 = arith.cmpi eq, %jit3A_250, %eq3A_251 : i32
    %jit3A_253 = arith.constant 1 : i32
    %select_n3A_254 = arith.select %eq3A_252, %jit3A_253, %jit3A_250 : i32
    %rem3A_255 = arith.remsi %select_n3A_209, %select_n3A_254 : i32
    %ne3A_256 = arith.constant 0 : i32
    %ne3A_257 = arith.cmpi ne, %rem3A_255, %ne3A_256 : i32
    %lt3A_258 = arith.constant 0 : i32
    %lt3A_259 = arith.cmpi slt, %rem3A_255, %lt3A_258 : i32
    %lt3A_260 = arith.constant 0 : i32
    %lt3A_261 = arith.cmpi slt, %select_n3A_254, %lt3A_260 : i32
    %ne3A_262 = arith.xori %lt3A_259, %lt3A_261 : i1
    %and3A_263 = arith.andi %ne3A_262, %ne3A_257 : i1
    %add3A_264 = arith.addi %rem3A_255, %select_n3A_254 : i32
    %select_n3A_265 = arith.select %and3A_263, %add3A_264, %rem3A_255 : i32
    %mul3A_266 = arith.constant 26 : i32
    %mul3A_267 = arith.muli %select_n3A_265, %mul3A_266 : i32
    %add3A_268 = arith.addi %mul3A_267, %select_n3A_249 : i32
    %mul3A_269 = arith.constant 16384 : i32
    %mul3A_270 = arith.muli %add3A_268, %mul3A_269 : i32
    %mul3A_271 = arith.constant 8192 : i32
    %mul3A_272 = arith.muli %select_n3A_225, %mul3A_271 : i32
    %add3A_273 = arith.addi %mul3A_270, %mul3A_272 : i32
    %dma_start3A_274 = arith.constant 16384 : i32
    %dma_start3A_275 = tpu.memref_slice %arg4[%dma_start3A_274] : memref<106496xf32, #tpu.memory_space<vmem>> -> memref<8192xf32, #tpu.memory_space<vmem>>
    %dma_start3A_276 = tpu.memref_slice %arg2[%add3A_273] : memref<3407872xf32, #tpu.memory_space<hbm>> -> memref<8192xf32, #tpu.memory_space<hbm>>
    %dma_start3A_277 = arith.constant 16384 : i32
    %dma_start3A_278 = tpu.memref_slice %arg4[%dma_start3A_277] : memref<106496xf32, #tpu.memory_space<vmem>> -> memref<8192xf32, #tpu.memory_space<vmem>>
    %dma_start3A_279 = tpu.memref_slice %arg2[%add3A_273] : memref<3407872xf32, #tpu.memory_space<hbm>> -> memref<8192xf32, #tpu.memory_space<hbm>>
    tpu.enqueue_dma source(%dma_start3A_279 : memref<8192xf32, #tpu.memory_space<hbm>>) target(%dma_start3A_278 : memref<8192xf32, #tpu.memory_space<vmem>>) target_semaphore(%arg5 : memref<!tpu.dma_semaphore, #tpu.memory_space<semaphore_mem>>)
    %add3A_280 = arith.constant 3 : i32
    %add3A_281 = arith.addi %mul3A_2, %add3A_280 : i32
    %jit3A_282 = arith.constant 2 : i32
    %div3A_283 = arith.divsi %add3A_281, %jit3A_282 : i32
    %sign3A_284 = arith.constant 0 : i32
    %sign3A_285 = arith.cmpi sgt, %add3A_281, %sign3A_284 : i32
    %sign3A_286 = arith.extui %sign3A_285 : i1 to i32
    %sign3A_287 = arith.constant 0 : i32
    %sign3A_288 = arith.cmpi slt, %add3A_281, %sign3A_287 : i32
    %sign3A_289 = arith.extui %sign3A_288 : i1 to i32
    %sign3A_290 = arith.subi %sign3A_286, %sign3A_289 : i32
    %sign3A_291 = arith.constant 0 : i32
    %sign3A_292 = arith.cmpi sgt, %jit3A_282, %sign3A_291 : i32
    %sign3A_293 = arith.extui %sign3A_292 : i1 to i32
    %sign3A_294 = arith.constant 0 : i32
    %sign3A_295 = arith.cmpi slt, %jit3A_282, %sign3A_294 : i32
    %sign3A_296 = arith.extui %sign3A_295 : i1 to i32
    %sign3A_297 = arith.subi %sign3A_293, %sign3A_296 : i32
    %ne3A_298 = arith.cmpi ne, %sign3A_290, %sign3A_297 : i32
    %rem3A_299 = arith.remsi %add3A_281, %jit3A_282 : i32
    %ne3A_300 = arith.constant 0 : i32
    %ne3A_301 = arith.cmpi ne, %rem3A_299, %ne3A_300 : i32
    %and3A_302 = arith.andi %ne3A_298, %ne3A_301 : i1
    %sub3A_303 = arith.constant 1 : i32
    %sub3A_304 = arith.subi %div3A_283, %sub3A_303 : i32
    %select_n3A_305 = arith.select %and3A_302, %sub3A_304, %div3A_283 : i32
    %jit3A_306 = arith.constant 2 : i32
    %eq3A_307 = arith.constant 0 : i32
    %eq3A_308 = arith.cmpi eq, %jit3A_306, %eq3A_307 : i32
    %jit3A_309 = arith.constant 1 : i32
    %select_n3A_310 = arith.select %eq3A_308, %jit3A_309, %jit3A_306 : i32
    %rem3A_311 = arith.remsi %add3A_281, %select_n3A_310 : i32
    %ne3A_312 = arith.constant 0 : i32
    %ne3A_313 = arith.cmpi ne, %rem3A_311, %ne3A_312 : i32
    %lt3A_314 = arith.constant 0 : i32
    %lt3A_315 = arith.cmpi slt, %rem3A_311, %lt3A_314 : i32
    %lt3A_316 = arith.constant 0 : i32
    %lt3A_317 = arith.cmpi slt, %select_n3A_310, %lt3A_316 : i32
    %ne3A_318 = arith.xori %lt3A_315, %lt3A_317 : i1
    %and3A_319 = arith.andi %ne3A_318, %ne3A_313 : i1
    %add3A_320 = arith.addi %rem3A_311, %select_n3A_310 : i32
    %select_n3A_321 = arith.select %and3A_319, %add3A_320, %rem3A_311 : i32
    %jit3A_322 = arith.constant 8 : i32
    %div3A_323 = arith.divsi %select_n3A_305, %jit3A_322 : i32
    %sign3A_324 = arith.constant 0 : i32
    %sign3A_325 = arith.cmpi sgt, %select_n3A_305, %sign3A_324 : i32
    %sign3A_326 = arith.extui %sign3A_325 : i1 to i32
    %sign3A_327 = arith.constant 0 : i32
    %sign3A_328 = arith.cmpi slt, %select_n3A_305, %sign3A_327 : i32
    %sign3A_329 = arith.extui %sign3A_328 : i1 to i32
    %sign3A_330 = arith.subi %sign3A_326, %sign3A_329 : i32
    %sign3A_331 = arith.constant 0 : i32
    %sign3A_332 = arith.cmpi sgt, %jit3A_322, %sign3A_331 : i32
    %sign3A_333 = arith.extui %sign3A_332 : i1 to i32
    %sign3A_334 = arith.constant 0 : i32
    %sign3A_335 = arith.cmpi slt, %jit3A_322, %sign3A_334 : i32
    %sign3A_336 = arith.extui %sign3A_335 : i1 to i32
    %sign3A_337 = arith.subi %sign3A_333, %sign3A_336 : i32
    %ne3A_338 = arith.cmpi ne, %sign3A_330, %sign3A_337 : i32
    %rem3A_339 = arith.remsi %select_n3A_305, %jit3A_322 : i32
    %ne3A_340 = arith.constant 0 : i32
    %ne3A_341 = arith.cmpi ne, %rem3A_339, %ne3A_340 : i32
    %and3A_342 = arith.andi %ne3A_338, %ne3A_341 : i1
    %sub3A_343 = arith.constant 1 : i32
    %sub3A_344 = arith.subi %div3A_323, %sub3A_343 : i32
    %select_n3A_345 = arith.select %and3A_342, %sub3A_344, %div3A_323 : i32
    %jit3A_346 = arith.constant 8 : i32
    %eq3A_347 = arith.constant 0 : i32
    %eq3A_348 = arith.cmpi eq, %jit3A_346, %eq3A_347 : i32
    %jit3A_349 = arith.constant 1 : i32
    %select_n3A_350 = arith.select %eq3A_348, %jit3A_349, %jit3A_346 : i32
    %rem3A_351 = arith.remsi %select_n3A_305, %select_n3A_350 : i32
    %ne3A_352 = arith.constant 0 : i32
    %ne3A_353 = arith.cmpi ne, %rem3A_351, %ne3A_352 : i32
    %lt3A_354 = arith.constant 0 : i32
    %lt3A_355 = arith.cmpi slt, %rem3A_351, %lt3A_354 : i32
    %lt3A_356 = arith.constant 0 : i32
    %lt3A_357 = arith.cmpi slt, %select_n3A_350, %lt3A_356 : i32
    %ne3A_358 = arith.xori %lt3A_355, %lt3A_357 : i1
    %and3A_359 = arith.andi %ne3A_358, %ne3A_353 : i1
    %add3A_360 = arith.addi %rem3A_351, %select_n3A_350 : i32
    %select_n3A_361 = arith.select %and3A_359, %add3A_360, %rem3A_351 : i32
    %mul3A_362 = arith.constant 26 : i32
    %mul3A_363 = arith.muli %select_n3A_361, %mul3A_362 : i32
    %add3A_364 = arith.addi %mul3A_363, %select_n3A_345 : i32
    %mul3A_365 = arith.constant 16384 : i32
    %mul3A_366 = arith.muli %add3A_364, %mul3A_365 : i32
    %mul3A_367 = arith.constant 8192 : i32
    %mul3A_368 = arith.muli %select_n3A_321, %mul3A_367 : i32
    %add3A_369 = arith.addi %mul3A_366, %mul3A_368 : i32
    %dma_start3A_370 = arith.constant 24576 : i32
    %dma_start3A_371 = tpu.memref_slice %arg4[%dma_start3A_370] : memref<106496xf32, #tpu.memory_space<vmem>> -> memref<8192xf32, #tpu.memory_space<vmem>>
    %dma_start3A_372 = tpu.memref_slice %arg2[%add3A_369] : memref<3407872xf32, #tpu.memory_space<hbm>> -> memref<8192xf32, #tpu.memory_space<hbm>>
    %dma_start3A_373 = arith.constant 24576 : i32
    %dma_start3A_374 = tpu.memref_slice %arg4[%dma_start3A_373] : memref<106496xf32, #tpu.memory_space<vmem>> -> memref<8192xf32, #tpu.memory_space<vmem>>
    %dma_start3A_375 = tpu.memref_slice %arg2[%add3A_369] : memref<3407872xf32, #tpu.memory_space<hbm>> -> memref<8192xf32, #tpu.memory_space<hbm>>
    tpu.enqueue_dma source(%dma_start3A_375 : memref<8192xf32, #tpu.memory_space<hbm>>) target(%dma_start3A_374 : memref<8192xf32, #tpu.memory_space<vmem>>) target_semaphore(%arg5 : memref<!tpu.dma_semaphore, #tpu.memory_space<semaphore_mem>>)
    %add3A_376 = arith.constant 4 : i32
    %add3A_377 = arith.addi %mul3A_2, %add3A_376 : i32
    %jit3A_378 = arith.constant 2 : i32
    %div3A_379 = arith.divsi %add3A_377, %jit3A_378 : i32
    %sign3A_380 = arith.constant 0 : i32
    %sign3A_381 = arith.cmpi sgt, %add3A_377, %sign3A_380 : i32
    %sign3A_382 = arith.extui %sign3A_381 : i1 to i32
    %sign3A_383 = arith.constant 0 : i32
    %sign3A_384 = arith.cmpi slt, %add3A_377, %sign3A_383 : i32
    %sign3A_385 = arith.extui %sign3A_384 : i1 to i32
    %sign3A_386 = arith.subi %sign3A_382, %sign3A_385 : i32
    %sign3A_387 = arith.constant 0 : i32
    %sign3A_388 = arith.cmpi sgt, %jit3A_378, %sign3A_387 : i32
    %sign3A_389 = arith.extui %sign3A_388 : i1 to i32
    %sign3A_390 = arith.constant 0 : i32
    %sign3A_391 = arith.cmpi slt, %jit3A_378, %sign3A_390 : i32
    %sign3A_392 = arith.extui %sign3A_391 : i1 to i32
    %sign3A_393 = arith.subi %sign3A_389, %sign3A_392 : i32
    %ne3A_394 = arith.cmpi ne, %sign3A_386, %sign3A_393 : i32
    %rem3A_395 = arith.remsi %add3A_377, %jit3A_378 : i32
    %ne3A_396 = arith.constant 0 : i32
    %ne3A_397 = arith.cmpi ne, %rem3A_395, %ne3A_396 : i32
    %and3A_398 = arith.andi %ne3A_394, %ne3A_397 : i1
    %sub3A_399 = arith.constant 1 : i32
    %sub3A_400 = arith.subi %div3A_379, %sub3A_399 : i32
    %select_n3A_401 = arith.select %and3A_398, %sub3A_400, %div3A_379 : i32
    %jit3A_402 = arith.constant 2 : i32
    %eq3A_403 = arith.constant 0 : i32
    %eq3A_404 = arith.cmpi eq, %jit3A_402, %eq3A_403 : i32
    %jit3A_405 = arith.constant 1 : i32
    %select_n3A_406 = arith.select %eq3A_404, %jit3A_405, %jit3A_402 : i32
    %rem3A_407 = arith.remsi %add3A_377, %select_n3A_406 : i32
    %ne3A_408 = arith.constant 0 : i32
    %ne3A_409 = arith.cmpi ne, %rem3A_407, %ne3A_408 : i32
    %lt3A_410 = arith.constant 0 : i32
    %lt3A_411 = arith.cmpi slt, %rem3A_407, %lt3A_410 : i32
    %lt3A_412 = arith.constant 0 : i32
    %lt3A_413 = arith.cmpi slt, %select_n3A_406, %lt3A_412 : i32
    %ne3A_414 = arith.xori %lt3A_411, %lt3A_413 : i1
    %and3A_415 = arith.andi %ne3A_414, %ne3A_409 : i1
    %add3A_416 = arith.addi %rem3A_407, %select_n3A_406 : i32
    %select_n3A_417 = arith.select %and3A_415, %add3A_416, %rem3A_407 : i32
    %jit3A_418 = arith.constant 8 : i32
    %div3A_419 = arith.divsi %select_n3A_401, %jit3A_418 : i32
    %sign3A_420 = arith.constant 0 : i32
    %sign3A_421 = arith.cmpi sgt, %select_n3A_401, %sign3A_420 : i32
    %sign3A_422 = arith.extui %sign3A_421 : i1 to i32
    %sign3A_423 = arith.constant 0 : i32
    %sign3A_424 = arith.cmpi slt, %select_n3A_401, %sign3A_423 : i32
    %sign3A_425 = arith.extui %sign3A_424 : i1 to i32
    %sign3A_426 = arith.subi %sign3A_422, %sign3A_425 : i32
    %sign3A_427 = arith.constant 0 : i32
    %sign3A_428 = arith.cmpi sgt, %jit3A_418, %sign3A_427 : i32
    %sign3A_429 = arith.extui %sign3A_428 : i1 to i32
    %sign3A_430 = arith.constant 0 : i32
    %sign3A_431 = arith.cmpi slt, %jit3A_418, %sign3A_430 : i32
    %sign3A_432 = arith.extui %sign3A_431 : i1 to i32
    %sign3A_433 = arith.subi %sign3A_429, %sign3A_432 : i32
    %ne3A_434 = arith.cmpi ne, %sign3A_426, %sign3A_433 : i32
    %rem3A_435 = arith.remsi %select_n3A_401, %jit3A_418 : i32
    %ne3A_436 = arith.constant 0 : i32
    %ne3A_437 = arith.cmpi ne, %rem3A_435, %ne3A_436 : i32
    %and3A_438 = arith.andi %ne3A_434, %ne3A_437 : i1
    %sub3A_439 = arith.constant 1 : i32
    %sub3A_440 = arith.subi %div3A_419, %sub3A_439 : i32
    %select_n3A_441 = arith.select %and3A_438, %sub3A_440, %div3A_419 : i32
    %jit3A_442 = arith.constant 8 : i32
    %eq3A_443 = arith.constant 0 : i32
    %eq3A_444 = arith.cmpi eq, %jit3A_442, %eq3A_443 : i32
    %jit3A_445 = arith.constant 1 : i32
    %select_n3A_446 = arith.select %eq3A_444, %jit3A_445, %jit3A_442 : i32
    %rem3A_447 = arith.remsi %select_n3A_401, %select_n3A_446 : i32
    %ne3A_448 = arith.constant 0 : i32
    %ne3A_449 = arith.cmpi ne, %rem3A_447, %ne3A_448 : i32
    %lt3A_450 = arith.constant 0 : i32
    %lt3A_451 = arith.cmpi slt, %rem3A_447, %lt3A_450 : i32
    %lt3A_452 = arith.constant 0 : i32
    %lt3A_453 = arith.cmpi slt, %select_n3A_446, %lt3A_452 : i32
    %ne3A_454 = arith.xori %lt3A_451, %lt3A_453 : i1
    %and3A_455 = arith.andi %ne3A_454, %ne3A_449 : i1
    %add3A_456 = arith.addi %rem3A_447, %select_n3A_446 : i32
    %select_n3A_457 = arith.select %and3A_455, %add3A_456, %rem3A_447 : i32
    %mul3A_458 = arith.constant 26 : i32
    %mul3A_459 = arith.muli %select_n3A_457, %mul3A_458 : i32
    %add3A_460 = arith.addi %mul3A_459, %select_n3A_441 : i32
    %mul3A_461 = arith.constant 16384 : i32
    %mul3A_462 = arith.muli %add3A_460, %mul3A_461 : i32
    %mul3A_463 = arith.constant 8192 : i32
    %mul3A_464 = arith.muli %select_n3A_417, %mul3A_463 : i32
    %add3A_465 = arith.addi %mul3A_462, %mul3A_464 : i32
    %dma_start3A_466 = arith.constant 32768 : i32
    %dma_start3A_467 = tpu.memref_slice %arg4[%dma_start3A_466] : memref<106496xf32, #tpu.memory_space<vmem>> -> memref<8192xf32, #tpu.memory_space<vmem>>
    %dma_start3A_468 = tpu.memref_slice %arg2[%add3A_465] : memref<3407872xf32, #tpu.memory_space<hbm>> -> memref<8192xf32, #tpu.memory_space<hbm>>
    %dma_start3A_469 = arith.constant 32768 : i32
    %dma_start3A_470 = tpu.memref_slice %arg4[%dma_start3A_469] : memref<106496xf32, #tpu.memory_space<vmem>> -> memref<8192xf32, #tpu.memory_space<vmem>>
    %dma_start3A_471 = tpu.memref_slice %arg2[%add3A_465] : memref<3407872xf32, #tpu.memory_space<hbm>> -> memref<8192xf32, #tpu.memory_space<hbm>>
    tpu.enqueue_dma source(%dma_start3A_471 : memref<8192xf32, #tpu.memory_space<hbm>>) target(%dma_start3A_470 : memref<8192xf32, #tpu.memory_space<vmem>>) target_semaphore(%arg5 : memref<!tpu.dma_semaphore, #tpu.memory_space<semaphore_mem>>)
    %add3A_472 = arith.constant 5 : i32
    %add3A_473 = arith.addi %mul3A_2, %add3A_472 : i32
    %jit3A_474 = arith.constant 2 : i32
    %div3A_475 = arith.divsi %add3A_473, %jit3A_474 : i32
    %sign3A_476 = arith.constant 0 : i32
    %sign3A_477 = arith.cmpi sgt, %add3A_473, %sign3A_476 : i32
    %sign3A_478 = arith.extui %sign3A_477 : i1 to i32
    %sign3A_479 = arith.constant 0 : i32
    %sign3A_480 = arith.cmpi slt, %add3A_473, %sign3A_479 : i32
    %sign3A_481 = arith.extui %sign3A_480 : i1 to i32
    %sign3A_482 = arith.subi %sign3A_478, %sign3A_481 : i32
    %sign3A_483 = arith.constant 0 : i32
    %sign3A_484 = arith.cmpi sgt, %jit3A_474, %sign3A_483 : i32
    %sign3A_485 = arith.extui %sign3A_484 : i1 to i32
    %sign3A_486 = arith.constant 0 : i32
    %sign3A_487 = arith.cmpi slt, %jit3A_474, %sign3A_486 : i32
    %sign3A_488 = arith.extui %sign3A_487 : i1 to i32
    %sign3A_489 = arith.subi %sign3A_485, %sign3A_488 : i32
    %ne3A_490 = arith.cmpi ne, %sign3A_482, %sign3A_489 : i32
    %rem3A_491 = arith.remsi %add3A_473, %jit3A_474 : i32
    %ne3A_492 = arith.constant 0 : i32
    %ne3A_493 = arith.cmpi ne, %rem3A_491, %ne3A_492 : i32
    %and3A_494 = arith.andi %ne3A_490, %ne3A_493 : i1
    %sub3A_495 = arith.constant 1 : i32
    %sub3A_496 = arith.subi %div3A_475, %sub3A_495 : i32
    %select_n3A_497 = arith.select %and3A_494, %sub3A_496, %div3A_475 : i32
    %jit3A_498 = arith.constant 2 : i32
    %eq3A_499 = arith.constant 0 : i32
    %eq3A_500 = arith.cmpi eq, %jit3A_498, %eq3A_499 : i32
    %jit3A_501 = arith.constant 1 : i32
    %select_n3A_502 = arith.select %eq3A_500, %jit3A_501, %jit3A_498 : i32
    %rem3A_503 = arith.remsi %add3A_473, %select_n3A_502 : i32
    %ne3A_504 = arith.constant 0 : i32
    %ne3A_505 = arith.cmpi ne, %rem3A_503, %ne3A_504 : i32
    %lt3A_506 = arith.constant 0 : i32
    %lt3A_507 = arith.cmpi slt, %rem3A_503, %lt3A_506 : i32
    %lt3A_508 = arith.constant 0 : i32
    %lt3A_509 = arith.cmpi slt, %select_n3A_502, %lt3A_508 : i32
    %ne3A_510 = arith.xori %lt3A_507, %lt3A_509 : i1
    %and3A_511 = arith.andi %ne3A_510, %ne3A_505 : i1
    %add3A_512 = arith.addi %rem3A_503, %select_n3A_502 : i32
    %select_n3A_513 = arith.select %and3A_511, %add3A_512, %rem3A_503 : i32
    %jit3A_514 = arith.constant 8 : i32
    %div3A_515 = arith.divsi %select_n3A_497, %jit3A_514 : i32
    %sign3A_516 = arith.constant 0 : i32
    %sign3A_517 = arith.cmpi sgt, %select_n3A_497, %sign3A_516 : i32
    %sign3A_518 = arith.extui %sign3A_517 : i1 to i32
    %sign3A_519 = arith.constant 0 : i32
    %sign3A_520 = arith.cmpi slt, %select_n3A_497, %sign3A_519 : i32
    %sign3A_521 = arith.extui %sign3A_520 : i1 to i32
    %sign3A_522 = arith.subi %sign3A_518, %sign3A_521 : i32
    %sign3A_523 = arith.constant 0 : i32
    %sign3A_524 = arith.cmpi sgt, %jit3A_514, %sign3A_523 : i32
    %sign3A_525 = arith.extui %sign3A_524 : i1 to i32
    %sign3A_526 = arith.constant 0 : i32
    %sign3A_527 = arith.cmpi slt, %jit3A_514, %sign3A_526 : i32
    %sign3A_528 = arith.extui %sign3A_527 : i1 to i32
    %sign3A_529 = arith.subi %sign3A_525, %sign3A_528 : i32
    %ne3A_530 = arith.cmpi ne, %sign3A_522, %sign3A_529 : i32
    %rem3A_531 = arith.remsi %select_n3A_497, %jit3A_514 : i32
    %ne3A_532 = arith.constant 0 : i32
    %ne3A_533 = arith.cmpi ne, %rem3A_531, %ne3A_532 : i32
    %and3A_534 = arith.andi %ne3A_530, %ne3A_533 : i1
    %sub3A_535 = arith.constant 1 : i32
    %sub3A_536 = arith.subi %div3A_515, %sub3A_535 : i32
    %select_n3A_537 = arith.select %and3A_534, %sub3A_536, %div3A_515 : i32
    %jit3A_538 = arith.constant 8 : i32
    %eq3A_539 = arith.constant 0 : i32
    %eq3A_540 = arith.cmpi eq, %jit3A_538, %eq3A_539 : i32
    %jit3A_541 = arith.constant 1 : i32
    %select_n3A_542 = arith.select %eq3A_540, %jit3A_541, %jit3A_538 : i32
    %rem3A_543 = arith.remsi %select_n3A_497, %select_n3A_542 : i32
    %ne3A_544 = arith.constant 0 : i32
    %ne3A_545 = arith.cmpi ne, %rem3A_543, %ne3A_544 : i32
    %lt3A_546 = arith.constant 0 : i32
    %lt3A_547 = arith.cmpi slt, %rem3A_543, %lt3A_546 : i32
    %lt3A_548 = arith.constant 0 : i32
    %lt3A_549 = arith.cmpi slt, %select_n3A_542, %lt3A_548 : i32
    %ne3A_550 = arith.xori %lt3A_547, %lt3A_549 : i1
    %and3A_551 = arith.andi %ne3A_550, %ne3A_545 : i1
    %add3A_552 = arith.addi %rem3A_543, %select_n3A_542 : i32
    %select_n3A_553 = arith.select %and3A_551, %add3A_552, %rem3A_543 : i32
    %mul3A_554 = arith.constant 26 : i32
    %mul3A_555 = arith.muli %select_n3A_553, %mul3A_554 : i32
    %add3A_556 = arith.addi %mul3A_555, %select_n3A_537 : i32
    %mul3A_557 = arith.constant 16384 : i32
    %mul3A_558 = arith.muli %add3A_556, %mul3A_557 : i32
    %mul3A_559 = arith.constant 8192 : i32
    %mul3A_560 = arith.muli %select_n3A_513, %mul3A_559 : i32
    %add3A_561 = arith.addi %mul3A_558, %mul3A_560 : i32
    %dma_start3A_562 = arith.constant 40960 : i32
    %dma_start3A_563 = tpu.memref_slice %arg4[%dma_start3A_562] : memref<106496xf32, #tpu.memory_space<vmem>> -> memref<8192xf32, #tpu.memory_space<vmem>>
    %dma_start3A_564 = tpu.memref_slice %arg2[%add3A_561] : memref<3407872xf32, #tpu.memory_space<hbm>> -> memref<8192xf32, #tpu.memory_space<hbm>>
    %dma_start3A_565 = arith.constant 40960 : i32
    %dma_start3A_566 = tpu.memref_slice %arg4[%dma_start3A_565] : memref<106496xf32, #tpu.memory_space<vmem>> -> memref<8192xf32, #tpu.memory_space<vmem>>
    %dma_start3A_567 = tpu.memref_slice %arg2[%add3A_561] : memref<3407872xf32, #tpu.memory_space<hbm>> -> memref<8192xf32, #tpu.memory_space<hbm>>
    tpu.enqueue_dma source(%dma_start3A_567 : memref<8192xf32, #tpu.memory_space<hbm>>) target(%dma_start3A_566 : memref<8192xf32, #tpu.memory_space<vmem>>) target_semaphore(%arg5 : memref<!tpu.dma_semaphore, #tpu.memory_space<semaphore_mem>>)
    %add3A_568 = arith.constant 6 : i32
    %add3A_569 = arith.addi %mul3A_2, %add3A_568 : i32
    %jit3A_570 = arith.constant 2 : i32
    %div3A_571 = arith.divsi %add3A_569, %jit3A_570 : i32
    %sign3A_572 = arith.constant 0 : i32
    %sign3A_573 = arith.cmpi sgt, %add3A_569, %sign3A_572 : i32
    %sign3A_574 = arith.extui %sign3A_573 : i1 to i32
    %sign3A_575 = arith.constant 0 : i32
    %sign3A_576 = arith.cmpi slt, %add3A_569, %sign3A_575 : i32
    %sign3A_577 = arith.extui %sign3A_576 : i1 to i32
    %sign3A_578 = arith.subi %sign3A_574, %sign3A_577 : i32
    %sign3A_579 = arith.constant 0 : i32
    %sign3A_580 = arith.cmpi sgt, %jit3A_570, %sign3A_579 : i32
    %sign3A_581 = arith.extui %sign3A_580 : i1 to i32
    %sign3A_582 = arith.constant 0 : i32
    %sign3A_583 = arith.cmpi slt, %jit3A_570, %sign3A_582 : i32
    %sign3A_584 = arith.extui %sign3A_583 : i1 to i32
    %sign3A_585 = arith.subi %sign3A_581, %sign3A_584 : i32
    %ne3A_586 = arith.cmpi ne, %sign3A_578, %sign3A_585 : i32
    %rem3A_587 = arith.remsi %add3A_569, %jit3A_570 : i32
    %ne3A_588 = arith.constant 0 : i32
    %ne3A_589 = arith.cmpi ne, %rem3A_587, %ne3A_588 : i32
    %and3A_590 = arith.andi %ne3A_586, %ne3A_589 : i1
    %sub3A_591 = arith.constant 1 : i32
    %sub3A_592 = arith.subi %div3A_571, %sub3A_591 : i32
    %select_n3A_593 = arith.select %and3A_590, %sub3A_592, %div3A_571 : i32
    %jit3A_594 = arith.constant 2 : i32
    %eq3A_595 = arith.constant 0 : i32
    %eq3A_596 = arith.cmpi eq, %jit3A_594, %eq3A_595 : i32
    %jit3A_597 = arith.constant 1 : i32
    %select_n3A_598 = arith.select %eq3A_596, %jit3A_597, %jit3A_594 : i32
    %rem3A_599 = arith.remsi %add3A_569, %select_n3A_598 : i32
    %ne3A_600 = arith.constant 0 : i32
    %ne3A_601 = arith.cmpi ne, %rem3A_599, %ne3A_600 : i32
    %lt3A_602 = arith.constant 0 : i32
    %lt3A_603 = arith.cmpi slt, %rem3A_599, %lt3A_602 : i32
    %lt3A_604 = arith.constant 0 : i32
    %lt3A_605 = arith.cmpi slt, %select_n3A_598, %lt3A_604 : i32
    %ne3A_606 = arith.xori %lt3A_603, %lt3A_605 : i1
    %and3A_607 = arith.andi %ne3A_606, %ne3A_601 : i1
    %add3A_608 = arith.addi %rem3A_599, %select_n3A_598 : i32
    %select_n3A_609 = arith.select %and3A_607, %add3A_608, %rem3A_599 : i32
    %jit3A_610 = arith.constant 8 : i32
    %div3A_611 = arith.divsi %select_n3A_593, %jit3A_610 : i32
    %sign3A_612 = arith.constant 0 : i32
    %sign3A_613 = arith.cmpi sgt, %select_n3A_593, %sign3A_612 : i32
    %sign3A_614 = arith.extui %sign3A_613 : i1 to i32
    %sign3A_615 = arith.constant 0 : i32
    %sign3A_616 = arith.cmpi slt, %select_n3A_593, %sign3A_615 : i32
    %sign3A_617 = arith.extui %sign3A_616 : i1 to i32
    %sign3A_618 = arith.subi %sign3A_614, %sign3A_617 : i32
    %sign3A_619 = arith.constant 0 : i32
    %sign3A_620 = arith.cmpi sgt, %jit3A_610, %sign3A_619 : i32
    %sign3A_621 = arith.extui %sign3A_620 : i1 to i32
    %sign3A_622 = arith.constant 0 : i32
    %sign3A_623 = arith.cmpi slt, %jit3A_610, %sign3A_622 : i32
    %sign3A_624 = arith.extui %sign3A_623 : i1 to i32
    %sign3A_625 = arith.subi %sign3A_621, %sign3A_624 : i32
    %ne3A_626 = arith.cmpi ne, %sign3A_618, %sign3A_625 : i32
    %rem3A_627 = arith.remsi %select_n3A_593, %jit3A_610 : i32
    %ne3A_628 = arith.constant 0 : i32
    %ne3A_629 = arith.cmpi ne, %rem3A_627, %ne3A_628 : i32
    %and3A_630 = arith.andi %ne3A_626, %ne3A_629 : i1
    %sub3A_631 = arith.constant 1 : i32
    %sub3A_632 = arith.subi %div3A_611, %sub3A_631 : i32
    %select_n3A_633 = arith.select %and3A_630, %sub3A_632, %div3A_611 : i32
    %jit3A_634 = arith.constant 8 : i32
    %eq3A_635 = arith.constant 0 : i32
    %eq3A_636 = arith.cmpi eq, %jit3A_634, %eq3A_635 : i32
    %jit3A_637 = arith.constant 1 : i32
    %select_n3A_638 = arith.select %eq3A_636, %jit3A_637, %jit3A_634 : i32
    %rem3A_639 = arith.remsi %select_n3A_593, %select_n3A_638 : i32
    %ne3A_640 = arith.constant 0 : i32
    %ne3A_641 = arith.cmpi ne, %rem3A_639, %ne3A_640 : i32
    %lt3A_642 = arith.constant 0 : i32
    %lt3A_643 = arith.cmpi slt, %rem3A_639, %lt3A_642 : i32
    %lt3A_644 = arith.constant 0 : i32
    %lt3A_645 = arith.cmpi slt, %select_n3A_638, %lt3A_644 : i32
    %ne3A_646 = arith.xori %lt3A_643, %lt3A_645 : i1
    %and3A_647 = arith.andi %ne3A_646, %ne3A_641 : i1
    %add3A_648 = arith.addi %rem3A_639, %select_n3A_638 : i32
    %select_n3A_649 = arith.select %and3A_647, %add3A_648, %rem3A_639 : i32
    %mul3A_650 = arith.constant 26 : i32
    %mul3A_651 = arith.muli %select_n3A_649, %mul3A_650 : i32
    %add3A_652 = arith.addi %mul3A_651, %select_n3A_633 : i32
    %mul3A_653 = arith.constant 16384 : i32
    %mul3A_654 = arith.muli %add3A_652, %mul3A_653 : i32
    %mul3A_655 = arith.constant 8192 : i32
    %mul3A_656 = arith.muli %select_n3A_609, %mul3A_655 : i32
    %add3A_657 = arith.addi %mul3A_654, %mul3A_656 : i32
    %dma_start3A_658 = arith.constant 49152 : i32
    %dma_start3A_659 = tpu.memref_slice %arg4[%dma_start3A_658] : memref<106496xf32, #tpu.memory_space<vmem>> -> memref<8192xf32, #tpu.memory_space<vmem>>
    %dma_start3A_660 = tpu.memref_slice %arg2[%add3A_657] : memref<3407872xf32, #tpu.memory_space<hbm>> -> memref<8192xf32, #tpu.memory_space<hbm>>
    %dma_start3A_661 = arith.constant 49152 : i32
    %dma_start3A_662 = tpu.memref_slice %arg4[%dma_start3A_661] : memref<106496xf32, #tpu.memory_space<vmem>> -> memref<8192xf32, #tpu.memory_space<vmem>>
    %dma_start3A_663 = tpu.memref_slice %arg2[%add3A_657] : memref<3407872xf32, #tpu.memory_space<hbm>> -> memref<8192xf32, #tpu.memory_space<hbm>>
    tpu.enqueue_dma source(%dma_start3A_663 : memref<8192xf32, #tpu.memory_space<hbm>>) target(%dma_start3A_662 : memref<8192xf32, #tpu.memory_space<vmem>>) target_semaphore(%arg5 : memref<!tpu.dma_semaphore, #tpu.memory_space<semaphore_mem>>)
    %add3A_664 = arith.constant 7 : i32
    %add3A_665 = arith.addi %mul3A_2, %add3A_664 : i32
    %jit3A_666 = arith.constant 2 : i32
    %div3A_667 = arith.divsi %add3A_665, %jit3A_666 : i32
    %sign3A_668 = arith.constant 0 : i32
    %sign3A_669 = arith.cmpi sgt, %add3A_665, %sign3A_668 : i32
    %sign3A_670 = arith.extui %sign3A_669 : i1 to i32
    %sign3A_671 = arith.constant 0 : i32
    %sign3A_672 = arith.cmpi slt, %add3A_665, %sign3A_671 : i32
    %sign3A_673 = arith.extui %sign3A_672 : i1 to i32
    %sign3A_674 = arith.subi %sign3A_670, %sign3A_673 : i32
    %sign3A_675 = arith.constant 0 : i32
    %sign3A_676 = arith.cmpi sgt, %jit3A_666, %sign3A_675 : i32
    %sign3A_677 = arith.extui %sign3A_676 : i1 to i32
    %sign3A_678 = arith.constant 0 : i32
    %sign3A_679 = arith.cmpi slt, %jit3A_666, %sign3A_678 : i32
    %sign3A_680 = arith.extui %sign3A_679 : i1 to i32
    %sign3A_681 = arith.subi %sign3A_677, %sign3A_680 : i32
    %ne3A_682 = arith.cmpi ne, %sign3A_674, %sign3A_681 : i32
    %rem3A_683 = arith.remsi %add3A_665, %jit3A_666 : i32
    %ne3A_684 = arith.constant 0 : i32
    %ne3A_685 = arith.cmpi ne, %rem3A_683, %ne3A_684 : i32
    %and3A_686 = arith.andi %ne3A_682, %ne3A_685 : i1
    %sub3A_687 = arith.constant 1 : i32
    %sub3A_688 = arith.subi %div3A_667, %sub3A_687 : i32
    %select_n3A_689 = arith.select %and3A_686, %sub3A_688, %div3A_667 : i32
    %jit3A_690 = arith.constant 2 : i32
    %eq3A_691 = arith.constant 0 : i32
    %eq3A_692 = arith.cmpi eq, %jit3A_690, %eq3A_691 : i32
    %jit3A_693 = arith.constant 1 : i32
    %select_n3A_694 = arith.select %eq3A_692, %jit3A_693, %jit3A_690 : i32
    %rem3A_695 = arith.remsi %add3A_665, %select_n3A_694 : i32
    %ne3A_696 = arith.constant 0 : i32
    %ne3A_697 = arith.cmpi ne, %rem3A_695, %ne3A_696 : i32
    %lt3A_698 = arith.constant 0 : i32
    %lt3A_699 = arith.cmpi slt, %rem3A_695, %lt3A_698 : i32
    %lt3A_700 = arith.constant 0 : i32
    %lt3A_701 = arith.cmpi slt, %select_n3A_694, %lt3A_700 : i32
    %ne3A_702 = arith.xori %lt3A_699, %lt3A_701 : i1
    %and3A_703 = arith.andi %ne3A_702, %ne3A_697 : i1
    %add3A_704 = arith.addi %rem3A_695, %select_n3A_694 : i32
    %select_n3A_705 = arith.select %and3A_703, %add3A_704, %rem3A_695 : i32
    %jit3A_706 = arith.constant 8 : i32
    %div3A_707 = arith.divsi %select_n3A_689, %jit3A_706 : i32
    %sign3A_708 = arith.constant 0 : i32
    %sign3A_709 = arith.cmpi sgt, %select_n3A_689, %sign3A_708 : i32
    %sign3A_710 = arith.extui %sign3A_709 : i1 to i32
    %sign3A_711 = arith.constant 0 : i32
    %sign3A_712 = arith.cmpi slt, %select_n3A_689, %sign3A_711 : i32
    %sign3A_713 = arith.extui %sign3A_712 : i1 to i32
    %sign3A_714 = arith.subi %sign3A_710, %sign3A_713 : i32
    %sign3A_715 = arith.constant 0 : i32
    %sign3A_716 = arith.cmpi sgt, %jit3A_706, %sign3A_715 : i32
    %sign3A_717 = arith.extui %sign3A_716 : i1 to i32
    %sign3A_718 = arith.constant 0 : i32
    %sign3A_719 = arith.cmpi slt, %jit3A_706, %sign3A_718 : i32
    %sign3A_720 = arith.extui %sign3A_719 : i1 to i32
    %sign3A_721 = arith.subi %sign3A_717, %sign3A_720 : i32
    %ne3A_722 = arith.cmpi ne, %sign3A_714, %sign3A_721 : i32
    %rem3A_723 = arith.remsi %select_n3A_689, %jit3A_706 : i32
    %ne3A_724 = arith.constant 0 : i32
    %ne3A_725 = arith.cmpi ne, %rem3A_723, %ne3A_724 : i32
    %and3A_726 = arith.andi %ne3A_722, %ne3A_725 : i1
    %sub3A_727 = arith.constant 1 : i32
    %sub3A_728 = arith.subi %div3A_707, %sub3A_727 : i32
    %select_n3A_729 = arith.select %and3A_726, %sub3A_728, %div3A_707 : i32
    %jit3A_730 = arith.constant 8 : i32
    %eq3A_731 = arith.constant 0 : i32
    %eq3A_732 = arith.cmpi eq, %jit3A_730, %eq3A_731 : i32
    %jit3A_733 = arith.constant 1 : i32
    %select_n3A_734 = arith.select %eq3A_732, %jit3A_733, %jit3A_730 : i32
    %rem3A_735 = arith.remsi %select_n3A_689, %select_n3A_734 : i32
    %ne3A_736 = arith.constant 0 : i32
    %ne3A_737 = arith.cmpi ne, %rem3A_735, %ne3A_736 : i32
    %lt3A_738 = arith.constant 0 : i32
    %lt3A_739 = arith.cmpi slt, %rem3A_735, %lt3A_738 : i32
    %lt3A_740 = arith.constant 0 : i32
    %lt3A_741 = arith.cmpi slt, %select_n3A_734, %lt3A_740 : i32
    %ne3A_742 = arith.xori %lt3A_739, %lt3A_741 : i1
    %and3A_743 = arith.andi %ne3A_742, %ne3A_737 : i1
    %add3A_744 = arith.addi %rem3A_735, %select_n3A_734 : i32
    %select_n3A_745 = arith.select %and3A_743, %add3A_744, %rem3A_735 : i32
    %mul3A_746 = arith.constant 26 : i32
    %mul3A_747 = arith.muli %select_n3A_745, %mul3A_746 : i32
    %add3A_748 = arith.addi %mul3A_747, %select_n3A_729 : i32
    %mul3A_749 = arith.constant 16384 : i32
    %mul3A_750 = arith.muli %add3A_748, %mul3A_749 : i32
    %mul3A_751 = arith.constant 8192 : i32
    %mul3A_752 = arith.muli %select_n3A_705, %mul3A_751 : i32
    %add3A_753 = arith.addi %mul3A_750, %mul3A_752 : i32
    %dma_start3A_754 = arith.constant 57344 : i32
    %dma_start3A_755 = tpu.memref_slice %arg4[%dma_start3A_754] : memref<106496xf32, #tpu.memory_space<vmem>> -> memref<8192xf32, #tpu.memory_space<vmem>>
    %dma_start3A_756 = tpu.memref_slice %arg2[%add3A_753] : memref<3407872xf32, #tpu.memory_space<hbm>> -> memref<8192xf32, #tpu.memory_space<hbm>>
    %dma_start3A_757 = arith.constant 57344 : i32
    %dma_start3A_758 = tpu.memref_slice %arg4[%dma_start3A_757] : memref<106496xf32, #tpu.memory_space<vmem>> -> memref<8192xf32, #tpu.memory_space<vmem>>
    %dma_start3A_759 = tpu.memref_slice %arg2[%add3A_753] : memref<3407872xf32, #tpu.memory_space<hbm>> -> memref<8192xf32, #tpu.memory_space<hbm>>
    tpu.enqueue_dma source(%dma_start3A_759 : memref<8192xf32, #tpu.memory_space<hbm>>) target(%dma_start3A_758 : memref<8192xf32, #tpu.memory_space<vmem>>) target_semaphore(%arg5 : memref<!tpu.dma_semaphore, #tpu.memory_space<semaphore_mem>>)
    %add3A_760 = arith.constant 8 : i32
    %add3A_761 = arith.addi %mul3A_2, %add3A_760 : i32
    %jit3A_762 = arith.constant 2 : i32
    %div3A_763 = arith.divsi %add3A_761, %jit3A_762 : i32
    %sign3A_764 = arith.constant 0 : i32
    %sign3A_765 = arith.cmpi sgt, %add3A_761, %sign3A_764 : i32
    %sign3A_766 = arith.extui %sign3A_765 : i1 to i32
    %sign3A_767 = arith.constant 0 : i32
    %sign3A_768 = arith.cmpi slt, %add3A_761, %sign3A_767 : i32
    %sign3A_769 = arith.extui %sign3A_768 : i1 to i32
    %sign3A_770 = arith.subi %sign3A_766, %sign3A_769 : i32
    %sign3A_771 = arith.constant 0 : i32
    %sign3A_772 = arith.cmpi sgt, %jit3A_762, %sign3A_771 : i32
    %sign3A_773 = arith.extui %sign3A_772 : i1 to i32
    %sign3A_774 = arith.constant 0 : i32
    %sign3A_775 = arith.cmpi slt, %jit3A_762, %sign3A_774 : i32
    %sign3A_776 = arith.extui %sign3A_775 : i1 to i32
    %sign3A_777 = arith.subi %sign3A_773, %sign3A_776 : i32
    %ne3A_778 = arith.cmpi ne, %sign3A_770, %sign3A_777 : i32
    %rem3A_779 = arith.remsi %add3A_761, %jit3A_762 : i32
    %ne3A_780 = arith.constant 0 : i32
    %ne3A_781 = arith.cmpi ne, %rem3A_779, %ne3A_780 : i32
    %and3A_782 = arith.andi %ne3A_778, %ne3A_781 : i1
    %sub3A_783 = arith.constant 1 : i32
    %sub3A_784 = arith.subi %div3A_763, %sub3A_783 : i32
    %select_n3A_785 = arith.select %and3A_782, %sub3A_784, %div3A_763 : i32
    %jit3A_786 = arith.constant 2 : i32
    %eq3A_787 = arith.constant 0 : i32
    %eq3A_788 = arith.cmpi eq, %jit3A_786, %eq3A_787 : i32
    %jit3A_789 = arith.constant 1 : i32
    %select_n3A_790 = arith.select %eq3A_788, %jit3A_789, %jit3A_786 : i32
    %rem3A_791 = arith.remsi %add3A_761, %select_n3A_790 : i32
    %ne3A_792 = arith.constant 0 : i32
    %ne3A_793 = arith.cmpi ne, %rem3A_791, %ne3A_792 : i32
    %lt3A_794 = arith.constant 0 : i32
    %lt3A_795 = arith.cmpi slt, %rem3A_791, %lt3A_794 : i32
    %lt3A_796 = arith.constant 0 : i32
    %lt3A_797 = arith.cmpi slt, %select_n3A_790, %lt3A_796 : i32
    %ne3A_798 = arith.xori %lt3A_795, %lt3A_797 : i1
    %and3A_799 = arith.andi %ne3A_798, %ne3A_793 : i1
    %add3A_800 = arith.addi %rem3A_791, %select_n3A_790 : i32
    %select_n3A_801 = arith.select %and3A_799, %add3A_800, %rem3A_791 : i32
    %jit3A_802 = arith.constant 8 : i32
    %div3A_803 = arith.divsi %select_n3A_785, %jit3A_802 : i32
    %sign3A_804 = arith.constant 0 : i32
    %sign3A_805 = arith.cmpi sgt, %select_n3A_785, %sign3A_804 : i32
    %sign3A_806 = arith.extui %sign3A_805 : i1 to i32
    %sign3A_807 = arith.constant 0 : i32
    %sign3A_808 = arith.cmpi slt, %select_n3A_785, %sign3A_807 : i32
    %sign3A_809 = arith.extui %sign3A_808 : i1 to i32
    %sign3A_810 = arith.subi %sign3A_806, %sign3A_809 : i32
    %sign3A_811 = arith.constant 0 : i32
    %sign3A_812 = arith.cmpi sgt, %jit3A_802, %sign3A_811 : i32
    %sign3A_813 = arith.extui %sign3A_812 : i1 to i32
    %sign3A_814 = arith.constant 0 : i32
    %sign3A_815 = arith.cmpi slt, %jit3A_802, %sign3A_814 : i32
    %sign3A_816 = arith.extui %sign3A_815 : i1 to i32
    %sign3A_817 = arith.subi %sign3A_813, %sign3A_816 : i32
    %ne3A_818 = arith.cmpi ne, %sign3A_810, %sign3A_817 : i32
    %rem3A_819 = arith.remsi %select_n3A_785, %jit3A_802 : i32
    %ne3A_820 = arith.constant 0 : i32
    %ne3A_821 = arith.cmpi ne, %rem3A_819, %ne3A_820 : i32
    %and3A_822 = arith.andi %ne3A_818, %ne3A_821 : i1
    %sub3A_823 = arith.constant 1 : i32
    %sub3A_824 = arith.subi %div3A_803, %sub3A_823 : i32
    %select_n3A_825 = arith.select %and3A_822, %sub3A_824, %div3A_803 : i32
    %jit3A_826 = arith.constant 8 : i32
    %eq3A_827 = arith.constant 0 : i32
    %eq3A_828 = arith.cmpi eq, %jit3A_826, %eq3A_827 : i32
    %jit3A_829 = arith.constant 1 : i32
    %select_n3A_830 = arith.select %eq3A_828, %jit3A_829, %jit3A_826 : i32
    %rem3A_831 = arith.remsi %select_n3A_785, %select_n3A_830 : i32
    %ne3A_832 = arith.constant 0 : i32
    %ne3A_833 = arith.cmpi ne, %rem3A_831, %ne3A_832 : i32
    %lt3A_834 = arith.constant 0 : i32
    %lt3A_835 = arith.cmpi slt, %rem3A_831, %lt3A_834 : i32
    %lt3A_836 = arith.constant 0 : i32
    %lt3A_837 = arith.cmpi slt, %select_n3A_830, %lt3A_836 : i32
    %ne3A_838 = arith.xori %lt3A_835, %lt3A_837 : i1
    %and3A_839 = arith.andi %ne3A_838, %ne3A_833 : i1
    %add3A_840 = arith.addi %rem3A_831, %select_n3A_830 : i32
    %select_n3A_841 = arith.select %and3A_839, %add3A_840, %rem3A_831 : i32
    %mul3A_842 = arith.constant 26 : i32
    %mul3A_843 = arith.muli %select_n3A_841, %mul3A_842 : i32
    %add3A_844 = arith.addi %mul3A_843, %select_n3A_825 : i32
    %mul3A_845 = arith.constant 16384 : i32
    %mul3A_846 = arith.muli %add3A_844, %mul3A_845 : i32
    %mul3A_847 = arith.constant 8192 : i32
    %mul3A_848 = arith.muli %select_n3A_801, %mul3A_847 : i32
    %add3A_849 = arith.addi %mul3A_846, %mul3A_848 : i32
    %dma_start3A_850 = arith.constant 65536 : i32
    %dma_start3A_851 = tpu.memref_slice %arg4[%dma_start3A_850] : memref<106496xf32, #tpu.memory_space<vmem>> -> memref<8192xf32, #tpu.memory_space<vmem>>
    %dma_start3A_852 = tpu.memref_slice %arg2[%add3A_849] : memref<3407872xf32, #tpu.memory_space<hbm>> -> memref<8192xf32, #tpu.memory_space<hbm>>
    %dma_start3A_853 = arith.constant 65536 : i32
    %dma_start3A_854 = tpu.memref_slice %arg4[%dma_start3A_853] : memref<106496xf32, #tpu.memory_space<vmem>> -> memref<8192xf32, #tpu.memory_space<vmem>>
    %dma_start3A_855 = tpu.memref_slice %arg2[%add3A_849] : memref<3407872xf32, #tpu.memory_space<hbm>> -> memref<8192xf32, #tpu.memory_space<hbm>>
    tpu.enqueue_dma source(%dma_start3A_855 : memref<8192xf32, #tpu.memory_space<hbm>>) target(%dma_start3A_854 : memref<8192xf32, #tpu.memory_space<vmem>>) target_semaphore(%arg5 : memref<!tpu.dma_semaphore, #tpu.memory_space<semaphore_mem>>)
    %add3A_856 = arith.constant 9 : i32
    %add3A_857 = arith.addi %mul3A_2, %add3A_856 : i32
    %jit3A_858 = arith.constant 2 : i32
    %div3A_859 = arith.divsi %add3A_857, %jit3A_858 : i32
    %sign3A_860 = arith.constant 0 : i32
    %sign3A_861 = arith.cmpi sgt, %add3A_857, %sign3A_860 : i32
    %sign3A_862 = arith.extui %sign3A_861 : i1 to i32
    %sign3A_863 = arith.constant 0 : i32
    %sign3A_864 = arith.cmpi slt, %add3A_857, %sign3A_863 : i32
    %sign3A_865 = arith.extui %sign3A_864 : i1 to i32
    %sign3A_866 = arith.subi %sign3A_862, %sign3A_865 : i32
    %sign3A_867 = arith.constant 0 : i32
    %sign3A_868 = arith.cmpi sgt, %jit3A_858, %sign3A_867 : i32
    %sign3A_869 = arith.extui %sign3A_868 : i1 to i32
    %sign3A_870 = arith.constant 0 : i32
    %sign3A_871 = arith.cmpi slt, %jit3A_858, %sign3A_870 : i32
    %sign3A_872 = arith.extui %sign3A_871 : i1 to i32
    %sign3A_873 = arith.subi %sign3A_869, %sign3A_872 : i32
    %ne3A_874 = arith.cmpi ne, %sign3A_866, %sign3A_873 : i32
    %rem3A_875 = arith.remsi %add3A_857, %jit3A_858 : i32
    %ne3A_876 = arith.constant 0 : i32
    %ne3A_877 = arith.cmpi ne, %rem3A_875, %ne3A_876 : i32
    %and3A_878 = arith.andi %ne3A_874, %ne3A_877 : i1
    %sub3A_879 = arith.constant 1 : i32
    %sub3A_880 = arith.subi %div3A_859, %sub3A_879 : i32
    %select_n3A_881 = arith.select %and3A_878, %sub3A_880, %div3A_859 : i32
    %jit3A_882 = arith.constant 2 : i32
    %eq3A_883 = arith.constant 0 : i32
    %eq3A_884 = arith.cmpi eq, %jit3A_882, %eq3A_883 : i32
    %jit3A_885 = arith.constant 1 : i32
    %select_n3A_886 = arith.select %eq3A_884, %jit3A_885, %jit3A_882 : i32
    %rem3A_887 = arith.remsi %add3A_857, %select_n3A_886 : i32
    %ne3A_888 = arith.constant 0 : i32
    %ne3A_889 = arith.cmpi ne, %rem3A_887, %ne3A_888 : i32
    %lt3A_890 = arith.constant 0 : i32
    %lt3A_891 = arith.cmpi slt, %rem3A_887, %lt3A_890 : i32
    %lt3A_892 = arith.constant 0 : i32
    %lt3A_893 = arith.cmpi slt, %select_n3A_886, %lt3A_892 : i32
    %ne3A_894 = arith.xori %lt3A_891, %lt3A_893 : i1
    %and3A_895 = arith.andi %ne3A_894, %ne3A_889 : i1
    %add3A_896 = arith.addi %rem3A_887, %select_n3A_886 : i32
    %select_n3A_897 = arith.select %and3A_895, %add3A_896, %rem3A_887 : i32
    %jit3A_898 = arith.constant 8 : i32
    %div3A_899 = arith.divsi %select_n3A_881, %jit3A_898 : i32
    %sign3A_900 = arith.constant 0 : i32
    %sign3A_901 = arith.cmpi sgt, %select_n3A_881, %sign3A_900 : i32
    %sign3A_902 = arith.extui %sign3A_901 : i1 to i32
    %sign3A_903 = arith.constant 0 : i32
    %sign3A_904 = arith.cmpi slt, %select_n3A_881, %sign3A_903 : i32
    %sign3A_905 = arith.extui %sign3A_904 : i1 to i32
    %sign3A_906 = arith.subi %sign3A_902, %sign3A_905 : i32
    %sign3A_907 = arith.constant 0 : i32
    %sign3A_908 = arith.cmpi sgt, %jit3A_898, %sign3A_907 : i32
    %sign3A_909 = arith.extui %sign3A_908 : i1 to i32
    %sign3A_910 = arith.constant 0 : i32
    %sign3A_911 = arith.cmpi slt, %jit3A_898, %sign3A_910 : i32
    %sign3A_912 = arith.extui %sign3A_911 : i1 to i32
    %sign3A_913 = arith.subi %sign3A_909, %sign3A_912 : i32
    %ne3A_914 = arith.cmpi ne, %sign3A_906, %sign3A_913 : i32
    %rem3A_915 = arith.remsi %select_n3A_881, %jit3A_898 : i32
    %ne3A_916 = arith.constant 0 : i32
    %ne3A_917 = arith.cmpi ne, %rem3A_915, %ne3A_916 : i32
    %and3A_918 = arith.andi %ne3A_914, %ne3A_917 : i1
    %sub3A_919 = arith.constant 1 : i32
    %sub3A_920 = arith.subi %div3A_899, %sub3A_919 : i32
    %select_n3A_921 = arith.select %and3A_918, %sub3A_920, %div3A_899 : i32
    %jit3A_922 = arith.constant 8 : i32
    %eq3A_923 = arith.constant 0 : i32
    %eq3A_924 = arith.cmpi eq, %jit3A_922, %eq3A_923 : i32
    %jit3A_925 = arith.constant 1 : i32
    %select_n3A_926 = arith.select %eq3A_924, %jit3A_925, %jit3A_922 : i32
    %rem3A_927 = arith.remsi %select_n3A_881, %select_n3A_926 : i32
    %ne3A_928 = arith.constant 0 : i32
    %ne3A_929 = arith.cmpi ne, %rem3A_927, %ne3A_928 : i32
    %lt3A_930 = arith.constant 0 : i32
    %lt3A_931 = arith.cmpi slt, %rem3A_927, %lt3A_930 : i32
    %lt3A_932 = arith.constant 0 : i32
    %lt3A_933 = arith.cmpi slt, %select_n3A_926, %lt3A_932 : i32
    %ne3A_934 = arith.xori %lt3A_931, %lt3A_933 : i1
    %and3A_935 = arith.andi %ne3A_934, %ne3A_929 : i1
    %add3A_936 = arith.addi %rem3A_927, %select_n3A_926 : i32
    %select_n3A_937 = arith.select %and3A_935, %add3A_936, %rem3A_927 : i32
    %mul3A_938 = arith.constant 26 : i32
    %mul3A_939 = arith.muli %select_n3A_937, %mul3A_938 : i32
    %add3A_940 = arith.addi %mul3A_939, %select_n3A_921 : i32
    %mul3A_941 = arith.constant 16384 : i32
    %mul3A_942 = arith.muli %add3A_940, %mul3A_941 : i32
    %mul3A_943 = arith.constant 8192 : i32
    %mul3A_944 = arith.muli %select_n3A_897, %mul3A_943 : i32
    %add3A_945 = arith.addi %mul3A_942, %mul3A_944 : i32
    %dma_start3A_946 = arith.constant 73728 : i32
    %dma_start3A_947 = tpu.memref_slice %arg4[%dma_start3A_946] : memref<106496xf32, #tpu.memory_space<vmem>> -> memref<8192xf32, #tpu.memory_space<vmem>>
    %dma_start3A_948 = tpu.memref_slice %arg2[%add3A_945] : memref<3407872xf32, #tpu.memory_space<hbm>> -> memref<8192xf32, #tpu.memory_space<hbm>>
    %dma_start3A_949 = arith.constant 73728 : i32
    %dma_start3A_950 = tpu.memref_slice %arg4[%dma_start3A_949] : memref<106496xf32, #tpu.memory_space<vmem>> -> memref<8192xf32, #tpu.memory_space<vmem>>
    %dma_start3A_951 = tpu.memref_slice %arg2[%add3A_945] : memref<3407872xf32, #tpu.memory_space<hbm>> -> memref<8192xf32, #tpu.memory_space<hbm>>
    tpu.enqueue_dma source(%dma_start3A_951 : memref<8192xf32, #tpu.memory_space<hbm>>) target(%dma_start3A_950 : memref<8192xf32, #tpu.memory_space<vmem>>) target_semaphore(%arg5 : memref<!tpu.dma_semaphore, #tpu.memory_space<semaphore_mem>>)
    %add3A_952 = arith.constant 10 : i32
    %add3A_953 = arith.addi %mul3A_2, %add3A_952 : i32
    %jit3A_954 = arith.constant 2 : i32
    %div3A_955 = arith.divsi %add3A_953, %jit3A_954 : i32
    %sign3A_956 = arith.constant 0 : i32
    %sign3A_957 = arith.cmpi sgt, %add3A_953, %sign3A_956 : i32
    %sign3A_958 = arith.extui %sign3A_957 : i1 to i32
    %sign3A_959 = arith.constant 0 : i32
    %sign3A_960 = arith.cmpi slt, %add3A_953, %sign3A_959 : i32
    %sign3A_961 = arith.extui %sign3A_960 : i1 to i32
    %sign3A_962 = arith.subi %sign3A_958, %sign3A_961 : i32
    %sign3A_963 = arith.constant 0 : i32
    %sign3A_964 = arith.cmpi sgt, %jit3A_954, %sign3A_963 : i32
    %sign3A_965 = arith.extui %sign3A_964 : i1 to i32
    %sign3A_966 = arith.constant 0 : i32
    %sign3A_967 = arith.cmpi slt, %jit3A_954, %sign3A_966 : i32
    %sign3A_968 = arith.extui %sign3A_967 : i1 to i32
    %sign3A_969 = arith.subi %sign3A_965, %sign3A_968 : i32
    %ne3A_970 = arith.cmpi ne, %sign3A_962, %sign3A_969 : i32
    %rem3A_971 = arith.remsi %add3A_953, %jit3A_954 : i32
    %ne3A_972 = arith.constant 0 : i32
    %ne3A_973 = arith.cmpi ne, %rem3A_971, %ne3A_972 : i32
    %and3A_974 = arith.andi %ne3A_970, %ne3A_973 : i1
    %sub3A_975 = arith.constant 1 : i32
    %sub3A_976 = arith.subi %div3A_955, %sub3A_975 : i32
    %select_n3A_977 = arith.select %and3A_974, %sub3A_976, %div3A_955 : i32
    %jit3A_978 = arith.constant 2 : i32
    %eq3A_979 = arith.constant 0 : i32
    %eq3A_980 = arith.cmpi eq, %jit3A_978, %eq3A_979 : i32
    %jit3A_981 = arith.constant 1 : i32
    %select_n3A_982 = arith.select %eq3A_980, %jit3A_981, %jit3A_978 : i32
    %rem3A_983 = arith.remsi %add3A_953, %select_n3A_982 : i32
    %ne3A_984 = arith.constant 0 : i32
    %ne3A_985 = arith.cmpi ne, %rem3A_983, %ne3A_984 : i32
    %lt3A_986 = arith.constant 0 : i32
    %lt3A_987 = arith.cmpi slt, %rem3A_983, %lt3A_986 : i32
    %lt3A_988 = arith.constant 0 : i32
    %lt3A_989 = arith.cmpi slt, %select_n3A_982, %lt3A_988 : i32
    %ne3A_990 = arith.xori %lt3A_987, %lt3A_989 : i1
    %and3A_991 = arith.andi %ne3A_990, %ne3A_985 : i1
    %add3A_992 = arith.addi %rem3A_983, %select_n3A_982 : i32
    %select_n3A_993 = arith.select %and3A_991, %add3A_992, %rem3A_983 : i32
    %jit3A_994 = arith.constant 8 : i32
    %div3A_995 = arith.divsi %select_n3A_977, %jit3A_994 : i32
    %sign3A_996 = arith.constant 0 : i32
    %sign3A_997 = arith.cmpi sgt, %select_n3A_977, %sign3A_996 : i32
    %sign3A_998 = arith.extui %sign3A_997 : i1 to i32
    %sign3A_999 = arith.constant 0 : i32
    %sign3A_1000 = arith.cmpi slt, %select_n3A_977, %sign3A_999 : i32
    %sign3A_1001 = arith.extui %sign3A_1000 : i1 to i32
    %sign3A_1002 = arith.subi %sign3A_998, %sign3A_1001 : i32
    %sign3A_1003 = arith.constant 0 : i32
    %sign3A_1004 = arith.cmpi sgt, %jit3A_994, %sign3A_1003 : i32
    %sign3A_1005 = arith.extui %sign3A_1004 : i1 to i32
    %sign3A_1006 = arith.constant 0 : i32
    %sign3A_1007 = arith.cmpi slt, %jit3A_994, %sign3A_1006 : i32
    %sign3A_1008 = arith.extui %sign3A_1007 : i1 to i32
    %sign3A_1009 = arith.subi %sign3A_1005, %sign3A_1008 : i32
    %ne3A_1010 = arith.cmpi ne, %sign3A_1002, %sign3A_1009 : i32
    %rem3A_1011 = arith.remsi %select_n3A_977, %jit3A_994 : i32
    %ne3A_1012 = arith.constant 0 : i32
    %ne3A_1013 = arith.cmpi ne, %rem3A_1011, %ne3A_1012 : i32
    %and3A_1014 = arith.andi %ne3A_1010, %ne3A_1013 : i1
    %sub3A_1015 = arith.constant 1 : i32
    %sub3A_1016 = arith.subi %div3A_995, %sub3A_1015 : i32
    %select_n3A_1017 = arith.select %and3A_1014, %sub3A_1016, %div3A_995 : i32
    %jit3A_1018 = arith.constant 8 : i32
    %eq3A_1019 = arith.constant 0 : i32
    %eq3A_1020 = arith.cmpi eq, %jit3A_1018, %eq3A_1019 : i32
    %jit3A_1021 = arith.constant 1 : i32
    %select_n3A_1022 = arith.select %eq3A_1020, %jit3A_1021, %jit3A_1018 : i32
    %rem3A_1023 = arith.remsi %select_n3A_977, %select_n3A_1022 : i32
    %ne3A_1024 = arith.constant 0 : i32
    %ne3A_1025 = arith.cmpi ne, %rem3A_1023, %ne3A_1024 : i32
    %lt3A_1026 = arith.constant 0 : i32
    %lt3A_1027 = arith.cmpi slt, %rem3A_1023, %lt3A_1026 : i32
    %lt3A_1028 = arith.constant 0 : i32
    %lt3A_1029 = arith.cmpi slt, %select_n3A_1022, %lt3A_1028 : i32
    %ne3A_1030 = arith.xori %lt3A_1027, %lt3A_1029 : i1
    %and3A_1031 = arith.andi %ne3A_1030, %ne3A_1025 : i1
    %add3A_1032 = arith.addi %rem3A_1023, %select_n3A_1022 : i32
    %select_n3A_1033 = arith.select %and3A_1031, %add3A_1032, %rem3A_1023 : i32
    %mul3A_1034 = arith.constant 26 : i32
    %mul3A_1035 = arith.muli %select_n3A_1033, %mul3A_1034 : i32
    %add3A_1036 = arith.addi %mul3A_1035, %select_n3A_1017 : i32
    %mul3A_1037 = arith.constant 16384 : i32
    %mul3A_1038 = arith.muli %add3A_1036, %mul3A_1037 : i32
    %mul3A_1039 = arith.constant 8192 : i32
    %mul3A_1040 = arith.muli %select_n3A_993, %mul3A_1039 : i32
    %add3A_1041 = arith.addi %mul3A_1038, %mul3A_1040 : i32
    %dma_start3A_1042 = arith.constant 81920 : i32
    %dma_start3A_1043 = tpu.memref_slice %arg4[%dma_start3A_1042] : memref<106496xf32, #tpu.memory_space<vmem>> -> memref<8192xf32, #tpu.memory_space<vmem>>
    %dma_start3A_1044 = tpu.memref_slice %arg2[%add3A_1041] : memref<3407872xf32, #tpu.memory_space<hbm>> -> memref<8192xf32, #tpu.memory_space<hbm>>
    %dma_start3A_1045 = arith.constant 81920 : i32
    %dma_start3A_1046 = tpu.memref_slice %arg4[%dma_start3A_1045] : memref<106496xf32, #tpu.memory_space<vmem>> -> memref<8192xf32, #tpu.memory_space<vmem>>
    %dma_start3A_1047 = tpu.memref_slice %arg2[%add3A_1041] : memref<3407872xf32, #tpu.memory_space<hbm>> -> memref<8192xf32, #tpu.memory_space<hbm>>
    tpu.enqueue_dma source(%dma_start3A_1047 : memref<8192xf32, #tpu.memory_space<hbm>>) target(%dma_start3A_1046 : memref<8192xf32, #tpu.memory_space<vmem>>) target_semaphore(%arg5 : memref<!tpu.dma_semaphore, #tpu.memory_space<semaphore_mem>>)
    %add3A_1048 = arith.constant 11 : i32
    %add3A_1049 = arith.addi %mul3A_2, %add3A_1048 : i32
    %jit3A_1050 = arith.constant 2 : i32
    %div3A_1051 = arith.divsi %add3A_1049, %jit3A_1050 : i32
    %sign3A_1052 = arith.constant 0 : i32
    %sign3A_1053 = arith.cmpi sgt, %add3A_1049, %sign3A_1052 : i32
    %sign3A_1054 = arith.extui %sign3A_1053 : i1 to i32
    %sign3A_1055 = arith.constant 0 : i32
    %sign3A_1056 = arith.cmpi slt, %add3A_1049, %sign3A_1055 : i32
    %sign3A_1057 = arith.extui %sign3A_1056 : i1 to i32
    %sign3A_1058 = arith.subi %sign3A_1054, %sign3A_1057 : i32
    %sign3A_1059 = arith.constant 0 : i32
    %sign3A_1060 = arith.cmpi sgt, %jit3A_1050, %sign3A_1059 : i32
    %sign3A_1061 = arith.extui %sign3A_1060 : i1 to i32
    %sign3A_1062 = arith.constant 0 : i32
    %sign3A_1063 = arith.cmpi slt, %jit3A_1050, %sign3A_1062 : i32
    %sign3A_1064 = arith.extui %sign3A_1063 : i1 to i32
    %sign3A_1065 = arith.subi %sign3A_1061, %sign3A_1064 : i32
    %ne3A_1066 = arith.cmpi ne, %sign3A_1058, %sign3A_1065 : i32
    %rem3A_1067 = arith.remsi %add3A_1049, %jit3A_1050 : i32
    %ne3A_1068 = arith.constant 0 : i32
    %ne3A_1069 = arith.cmpi ne, %rem3A_1067, %ne3A_1068 : i32
    %and3A_1070 = arith.andi %ne3A_1066, %ne3A_1069 : i1
    %sub3A_1071 = arith.constant 1 : i32
    %sub3A_1072 = arith.subi %div3A_1051, %sub3A_1071 : i32
    %select_n3A_1073 = arith.select %and3A_1070, %sub3A_1072, %div3A_1051 : i32
    %jit3A_1074 = arith.constant 2 : i32
    %eq3A_1075 = arith.constant 0 : i32
    %eq3A_1076 = arith.cmpi eq, %jit3A_1074, %eq3A_1075 : i32
    %jit3A_1077 = arith.constant 1 : i32
    %select_n3A_1078 = arith.select %eq3A_1076, %jit3A_1077, %jit3A_1074 : i32
    %rem3A_1079 = arith.remsi %add3A_1049, %select_n3A_1078 : i32
    %ne3A_1080 = arith.constant 0 : i32
    %ne3A_1081 = arith.cmpi ne, %rem3A_1079, %ne3A_1080 : i32
    %lt3A_1082 = arith.constant 0 : i32
    %lt3A_1083 = arith.cmpi slt, %rem3A_1079, %lt3A_1082 : i32
    %lt3A_1084 = arith.constant 0 : i32
    %lt3A_1085 = arith.cmpi slt, %select_n3A_1078, %lt3A_1084 : i32
    %ne3A_1086 = arith.xori %lt3A_1083, %lt3A_1085 : i1
    %and3A_1087 = arith.andi %ne3A_1086, %ne3A_1081 : i1
    %add3A_1088 = arith.addi %rem3A_1079, %select_n3A_1078 : i32
    %select_n3A_1089 = arith.select %and3A_1087, %add3A_1088, %rem3A_1079 : i32
    %jit3A_1090 = arith.constant 8 : i32
    %div3A_1091 = arith.divsi %select_n3A_1073, %jit3A_1090 : i32
    %sign3A_1092 = arith.constant 0 : i32
    %sign3A_1093 = arith.cmpi sgt, %select_n3A_1073, %sign3A_1092 : i32
    %sign3A_1094 = arith.extui %sign3A_1093 : i1 to i32
    %sign3A_1095 = arith.constant 0 : i32
    %sign3A_1096 = arith.cmpi slt, %select_n3A_1073, %sign3A_1095 : i32
    %sign3A_1097 = arith.extui %sign3A_1096 : i1 to i32
    %sign3A_1098 = arith.subi %sign3A_1094, %sign3A_1097 : i32
    %sign3A_1099 = arith.constant 0 : i32
    %sign3A_1100 = arith.cmpi sgt, %jit3A_1090, %sign3A_1099 : i32
    %sign3A_1101 = arith.extui %sign3A_1100 : i1 to i32
    %sign3A_1102 = arith.constant 0 : i32
    %sign3A_1103 = arith.cmpi slt, %jit3A_1090, %sign3A_1102 : i32
    %sign3A_1104 = arith.extui %sign3A_1103 : i1 to i32
    %sign3A_1105 = arith.subi %sign3A_1101, %sign3A_1104 : i32
    %ne3A_1106 = arith.cmpi ne, %sign3A_1098, %sign3A_1105 : i32
    %rem3A_1107 = arith.remsi %select_n3A_1073, %jit3A_1090 : i32
    %ne3A_1108 = arith.constant 0 : i32
    %ne3A_1109 = arith.cmpi ne, %rem3A_1107, %ne3A_1108 : i32
    %and3A_1110 = arith.andi %ne3A_1106, %ne3A_1109 : i1
    %sub3A_1111 = arith.constant 1 : i32
    %sub3A_1112 = arith.subi %div3A_1091, %sub3A_1111 : i32
    %select_n3A_1113 = arith.select %and3A_1110, %sub3A_1112, %div3A_1091 : i32
    %jit3A_1114 = arith.constant 8 : i32
    %eq3A_1115 = arith.constant 0 : i32
    %eq3A_1116 = arith.cmpi eq, %jit3A_1114, %eq3A_1115 : i32
    %jit3A_1117 = arith.constant 1 : i32
    %select_n3A_1118 = arith.select %eq3A_1116, %jit3A_1117, %jit3A_1114 : i32
    %rem3A_1119 = arith.remsi %select_n3A_1073, %select_n3A_1118 : i32
    %ne3A_1120 = arith.constant 0 : i32
    %ne3A_1121 = arith.cmpi ne, %rem3A_1119, %ne3A_1120 : i32
    %lt3A_1122 = arith.constant 0 : i32
    %lt3A_1123 = arith.cmpi slt, %rem3A_1119, %lt3A_1122 : i32
    %lt3A_1124 = arith.constant 0 : i32
    %lt3A_1125 = arith.cmpi slt, %select_n3A_1118, %lt3A_1124 : i32
    %ne3A_1126 = arith.xori %lt3A_1123, %lt3A_1125 : i1
    %and3A_1127 = arith.andi %ne3A_1126, %ne3A_1121 : i1
    %add3A_1128 = arith.addi %rem3A_1119, %select_n3A_1118 : i32
    %select_n3A_1129 = arith.select %and3A_1127, %add3A_1128, %rem3A_1119 : i32
    %mul3A_1130 = arith.constant 26 : i32
    %mul3A_1131 = arith.muli %select_n3A_1129, %mul3A_1130 : i32
    %add3A_1132 = arith.addi %mul3A_1131, %select_n3A_1113 : i32
    %mul3A_1133 = arith.constant 16384 : i32
    %mul3A_1134 = arith.muli %add3A_1132, %mul3A_1133 : i32
    %mul3A_1135 = arith.constant 8192 : i32
    %mul3A_1136 = arith.muli %select_n3A_1089, %mul3A_1135 : i32
    %add3A_1137 = arith.addi %mul3A_1134, %mul3A_1136 : i32
    %dma_start3A_1138 = arith.constant 90112 : i32
    %dma_start3A_1139 = tpu.memref_slice %arg4[%dma_start3A_1138] : memref<106496xf32, #tpu.memory_space<vmem>> -> memref<8192xf32, #tpu.memory_space<vmem>>
    %dma_start3A_1140 = tpu.memref_slice %arg2[%add3A_1137] : memref<3407872xf32, #tpu.memory_space<hbm>> -> memref<8192xf32, #tpu.memory_space<hbm>>
    %dma_start3A_1141 = arith.constant 90112 : i32
    %dma_start3A_1142 = tpu.memref_slice %arg4[%dma_start3A_1141] : memref<106496xf32, #tpu.memory_space<vmem>> -> memref<8192xf32, #tpu.memory_space<vmem>>
    %dma_start3A_1143 = tpu.memref_slice %arg2[%add3A_1137] : memref<3407872xf32, #tpu.memory_space<hbm>> -> memref<8192xf32, #tpu.memory_space<hbm>>
    tpu.enqueue_dma source(%dma_start3A_1143 : memref<8192xf32, #tpu.memory_space<hbm>>) target(%dma_start3A_1142 : memref<8192xf32, #tpu.memory_space<vmem>>) target_semaphore(%arg5 : memref<!tpu.dma_semaphore, #tpu.memory_space<semaphore_mem>>)
    %add3A_1144 = arith.constant 12 : i32
    %add3A_1145 = arith.addi %mul3A_2, %add3A_1144 : i32
    %jit3A_1146 = arith.constant 2 : i32
    %div3A_1147 = arith.divsi %add3A_1145, %jit3A_1146 : i32
    %sign3A_1148 = arith.constant 0 : i32
    %sign3A_1149 = arith.cmpi sgt, %add3A_1145, %sign3A_1148 : i32
    %sign3A_1150 = arith.extui %sign3A_1149 : i1 to i32
    %sign3A_1151 = arith.constant 0 : i32
    %sign3A_1152 = arith.cmpi slt, %add3A_1145, %sign3A_1151 : i32
    %sign3A_1153 = arith.extui %sign3A_1152 : i1 to i32
    %sign3A_1154 = arith.subi %sign3A_1150, %sign3A_1153 : i32
    %sign3A_1155 = arith.constant 0 : i32
    %sign3A_1156 = arith.cmpi sgt, %jit3A_1146, %sign3A_1155 : i32
    %sign3A_1157 = arith.extui %sign3A_1156 : i1 to i32
    %sign3A_1158 = arith.constant 0 : i32
    %sign3A_1159 = arith.cmpi slt, %jit3A_1146, %sign3A_1158 : i32
    %sign3A_1160 = arith.extui %sign3A_1159 : i1 to i32
    %sign3A_1161 = arith.subi %sign3A_1157, %sign3A_1160 : i32
    %ne3A_1162 = arith.cmpi ne, %sign3A_1154, %sign3A_1161 : i32
    %rem3A_1163 = arith.remsi %add3A_1145, %jit3A_1146 : i32
    %ne3A_1164 = arith.constant 0 : i32
    %ne3A_1165 = arith.cmpi ne, %rem3A_1163, %ne3A_1164 : i32
    %and3A_1166 = arith.andi %ne3A_1162, %ne3A_1165 : i1
    %sub3A_1167 = arith.constant 1 : i32
    %sub3A_1168 = arith.subi %div3A_1147, %sub3A_1167 : i32
    %select_n3A_1169 = arith.select %and3A_1166, %sub3A_1168, %div3A_1147 : i32
    %jit3A_1170 = arith.constant 2 : i32
    %eq3A_1171 = arith.constant 0 : i32
    %eq3A_1172 = arith.cmpi eq, %jit3A_1170, %eq3A_1171 : i32
    %jit3A_1173 = arith.constant 1 : i32
    %select_n3A_1174 = arith.select %eq3A_1172, %jit3A_1173, %jit3A_1170 : i32
    %rem3A_1175 = arith.remsi %add3A_1145, %select_n3A_1174 : i32
    %ne3A_1176 = arith.constant 0 : i32
    %ne3A_1177 = arith.cmpi ne, %rem3A_1175, %ne3A_1176 : i32
    %lt3A_1178 = arith.constant 0 : i32
    %lt3A_1179 = arith.cmpi slt, %rem3A_1175, %lt3A_1178 : i32
    %lt3A_1180 = arith.constant 0 : i32
    %lt3A_1181 = arith.cmpi slt, %select_n3A_1174, %lt3A_1180 : i32
    %ne3A_1182 = arith.xori %lt3A_1179, %lt3A_1181 : i1
    %and3A_1183 = arith.andi %ne3A_1182, %ne3A_1177 : i1
    %add3A_1184 = arith.addi %rem3A_1175, %select_n3A_1174 : i32
    %select_n3A_1185 = arith.select %and3A_1183, %add3A_1184, %rem3A_1175 : i32
    %jit3A_1186 = arith.constant 8 : i32
    %div3A_1187 = arith.divsi %select_n3A_1169, %jit3A_1186 : i32
    %sign3A_1188 = arith.constant 0 : i32
    %sign3A_1189 = arith.cmpi sgt, %select_n3A_1169, %sign3A_1188 : i32
    %sign3A_1190 = arith.extui %sign3A_1189 : i1 to i32
    %sign3A_1191 = arith.constant 0 : i32
    %sign3A_1192 = arith.cmpi slt, %select_n3A_1169, %sign3A_1191 : i32
    %sign3A_1193 = arith.extui %sign3A_1192 : i1 to i32
    %sign3A_1194 = arith.subi %sign3A_1190, %sign3A_1193 : i32
    %sign3A_1195 = arith.constant 0 : i32
    %sign3A_1196 = arith.cmpi sgt, %jit3A_1186, %sign3A_1195 : i32
    %sign3A_1197 = arith.extui %sign3A_1196 : i1 to i32
    %sign3A_1198 = arith.constant 0 : i32
    %sign3A_1199 = arith.cmpi slt, %jit3A_1186, %sign3A_1198 : i32
    %sign3A_1200 = arith.extui %sign3A_1199 : i1 to i32
    %sign3A_1201 = arith.subi %sign3A_1197, %sign3A_1200 : i32
    %ne3A_1202 = arith.cmpi ne, %sign3A_1194, %sign3A_1201 : i32
    %rem3A_1203 = arith.remsi %select_n3A_1169, %jit3A_1186 : i32
    %ne3A_1204 = arith.constant 0 : i32
    %ne3A_1205 = arith.cmpi ne, %rem3A_1203, %ne3A_1204 : i32
    %and3A_1206 = arith.andi %ne3A_1202, %ne3A_1205 : i1
    %sub3A_1207 = arith.constant 1 : i32
    %sub3A_1208 = arith.subi %div3A_1187, %sub3A_1207 : i32
    %select_n3A_1209 = arith.select %and3A_1206, %sub3A_1208, %div3A_1187 : i32
    %jit3A_1210 = arith.constant 8 : i32
    %eq3A_1211 = arith.constant 0 : i32
    %eq3A_1212 = arith.cmpi eq, %jit3A_1210, %eq3A_1211 : i32
    %jit3A_1213 = arith.constant 1 : i32
    %select_n3A_1214 = arith.select %eq3A_1212, %jit3A_1213, %jit3A_1210 : i32
    %rem3A_1215 = arith.remsi %select_n3A_1169, %select_n3A_1214 : i32
    %ne3A_1216 = arith.constant 0 : i32
    %ne3A_1217 = arith.cmpi ne, %rem3A_1215, %ne3A_1216 : i32
    %lt3A_1218 = arith.constant 0 : i32
    %lt3A_1219 = arith.cmpi slt, %rem3A_1215, %lt3A_1218 : i32
    %lt3A_1220 = arith.constant 0 : i32
    %lt3A_1221 = arith.cmpi slt, %select_n3A_1214, %lt3A_1220 : i32
    %ne3A_1222 = arith.xori %lt3A_1219, %lt3A_1221 : i1
    %and3A_1223 = arith.andi %ne3A_1222, %ne3A_1217 : i1
    %add3A_1224 = arith.addi %rem3A_1215, %select_n3A_1214 : i32
    %select_n3A_1225 = arith.select %and3A_1223, %add3A_1224, %rem3A_1215 : i32
    %mul3A_1226 = arith.constant 26 : i32
    %mul3A_1227 = arith.muli %select_n3A_1225, %mul3A_1226 : i32
    %add3A_1228 = arith.addi %mul3A_1227, %select_n3A_1209 : i32
    %mul3A_1229 = arith.constant 16384 : i32
    %mul3A_1230 = arith.muli %add3A_1228, %mul3A_1229 : i32
    %mul3A_1231 = arith.constant 8192 : i32
    %mul3A_1232 = arith.muli %select_n3A_1185, %mul3A_1231 : i32
    %add3A_1233 = arith.addi %mul3A_1230, %mul3A_1232 : i32
    %dma_start3A_1234 = arith.constant 98304 : i32
    %dma_start3A_1235 = tpu.memref_slice %arg4[%dma_start3A_1234] : memref<106496xf32, #tpu.memory_space<vmem>> -> memref<8192xf32, #tpu.memory_space<vmem>>
    %dma_start3A_1236 = tpu.memref_slice %arg2[%add3A_1233] : memref<3407872xf32, #tpu.memory_space<hbm>> -> memref<8192xf32, #tpu.memory_space<hbm>>
    %dma_start3A_1237 = arith.constant 98304 : i32
    %dma_start3A_1238 = tpu.memref_slice %arg4[%dma_start3A_1237] : memref<106496xf32, #tpu.memory_space<vmem>> -> memref<8192xf32, #tpu.memory_space<vmem>>
    %dma_start3A_1239 = tpu.memref_slice %arg2[%add3A_1233] : memref<3407872xf32, #tpu.memory_space<hbm>> -> memref<8192xf32, #tpu.memory_space<hbm>>
    tpu.enqueue_dma source(%dma_start3A_1239 : memref<8192xf32, #tpu.memory_space<hbm>>) target(%dma_start3A_1238 : memref<8192xf32, #tpu.memory_space<vmem>>) target_semaphore(%arg5 : memref<!tpu.dma_semaphore, #tpu.memory_space<semaphore_mem>>)
    %dma_wait3A = arith.constant 0 : i32
    %dma_wait3A_1240 = tpu.memref_slice %arg4[%dma_wait3A] : memref<106496xf32, #tpu.memory_space<vmem>> -> memref<8192xf32, #tpu.memory_space<vmem>>
    %dma_wait3A_1241 = tpu.memref_slice %arg2[%add3A_82] : memref<3407872xf32, #tpu.memory_space<hbm>> -> memref<8192xf32, #tpu.memory_space<hbm>>
    %dma_wait3A_1242 = arith.constant 0 : i32
    %dma_wait3A_1243 = tpu.memref_slice %arg4[%dma_wait3A_1242] : memref<106496xf32, #tpu.memory_space<vmem>> -> memref<8192xf32, #tpu.memory_space<vmem>>
    %dma_wait3A_1244 = tpu.memref_slice %arg2[%add3A_82] : memref<3407872xf32, #tpu.memory_space<hbm>> -> memref<8192xf32, #tpu.memory_space<hbm>>
    tpu.wait_dma2 semaphore(%arg5 : memref<!tpu.dma_semaphore, #tpu.memory_space<semaphore_mem>>) src(%dma_wait3A_1244 : memref<8192xf32, #tpu.memory_space<hbm>>) dst(%dma_wait3A_1243 : memref<8192xf32, #tpu.memory_space<vmem>>)
    %dma_wait3A_1245 = arith.constant 8192 : i32
    %dma_wait3A_1246 = tpu.memref_slice %arg4[%dma_wait3A_1245] : memref<106496xf32, #tpu.memory_space<vmem>> -> memref<8192xf32, #tpu.memory_space<vmem>>
    %dma_wait3A_1247 = tpu.memref_slice %arg2[%add3A_177] : memref<3407872xf32, #tpu.memory_space<hbm>> -> memref<8192xf32, #tpu.memory_space<hbm>>
    %dma_wait3A_1248 = arith.constant 8192 : i32
    %dma_wait3A_1249 = tpu.memref_slice %arg4[%dma_wait3A_1248] : memref<106496xf32, #tpu.memory_space<vmem>> -> memref<8192xf32, #tpu.memory_space<vmem>>
    %dma_wait3A_1250 = tpu.memref_slice %arg2[%add3A_177] : memref<3407872xf32, #tpu.memory_space<hbm>> -> memref<8192xf32, #tpu.memory_space<hbm>>
    tpu.wait_dma2 semaphore(%arg5 : memref<!tpu.dma_semaphore, #tpu.memory_space<semaphore_mem>>) src(%dma_wait3A_1250 : memref<8192xf32, #tpu.memory_space<hbm>>) dst(%dma_wait3A_1249 : memref<8192xf32, #tpu.memory_space<vmem>>)
    %dma_wait3A_1251 = arith.constant 16384 : i32
    %dma_wait3A_1252 = tpu.memref_slice %arg4[%dma_wait3A_1251] : memref<106496xf32, #tpu.memory_space<vmem>> -> memref<8192xf32, #tpu.memory_space<vmem>>
    %dma_wait3A_1253 = tpu.memref_slice %arg2[%add3A_273] : memref<3407872xf32, #tpu.memory_space<hbm>> -> memref<8192xf32, #tpu.memory_space<hbm>>
    %dma_wait3A_1254 = arith.constant 16384 : i32
    %dma_wait3A_1255 = tpu.memref_slice %arg4[%dma_wait3A_1254] : memref<106496xf32, #tpu.memory_space<vmem>> -> memref<8192xf32, #tpu.memory_space<vmem>>
    %dma_wait3A_1256 = tpu.memref_slice %arg2[%add3A_273] : memref<3407872xf32, #tpu.memory_space<hbm>> -> memref<8192xf32, #tpu.memory_space<hbm>>
    tpu.wait_dma2 semaphore(%arg5 : memref<!tpu.dma_semaphore, #tpu.memory_space<semaphore_mem>>) src(%dma_wait3A_1256 : memref<8192xf32, #tpu.memory_space<hbm>>) dst(%dma_wait3A_1255 : memref<8192xf32, #tpu.memory_space<vmem>>)
    %dma_wait3A_1257 = arith.constant 24576 : i32
    %dma_wait3A_1258 = tpu.memref_slice %arg4[%dma_wait3A_1257] : memref<106496xf32, #tpu.memory_space<vmem>> -> memref<8192xf32, #tpu.memory_space<vmem>>
    %dma_wait3A_1259 = tpu.memref_slice %arg2[%add3A_369] : memref<3407872xf32, #tpu.memory_space<hbm>> -> memref<8192xf32, #tpu.memory_space<hbm>>
    %dma_wait3A_1260 = arith.constant 24576 : i32
    %dma_wait3A_1261 = tpu.memref_slice %arg4[%dma_wait3A_1260] : memref<106496xf32, #tpu.memory_space<vmem>> -> memref<8192xf32, #tpu.memory_space<vmem>>
    %dma_wait3A_1262 = tpu.memref_slice %arg2[%add3A_369] : memref<3407872xf32, #tpu.memory_space<hbm>> -> memref<8192xf32, #tpu.memory_space<hbm>>
    tpu.wait_dma2 semaphore(%arg5 : memref<!tpu.dma_semaphore, #tpu.memory_space<semaphore_mem>>) src(%dma_wait3A_1262 : memref<8192xf32, #tpu.memory_space<hbm>>) dst(%dma_wait3A_1261 : memref<8192xf32, #tpu.memory_space<vmem>>)
    %dma_wait3A_1263 = arith.constant 32768 : i32
    %dma_wait3A_1264 = tpu.memref_slice %arg4[%dma_wait3A_1263] : memref<106496xf32, #tpu.memory_space<vmem>> -> memref<8192xf32, #tpu.memory_space<vmem>>
    %dma_wait3A_1265 = tpu.memref_slice %arg2[%add3A_465] : memref<3407872xf32, #tpu.memory_space<hbm>> -> memref<8192xf32, #tpu.memory_space<hbm>>
    %dma_wait3A_1266 = arith.constant 32768 : i32
    %dma_wait3A_1267 = tpu.memref_slice %arg4[%dma_wait3A_1266] : memref<106496xf32, #tpu.memory_space<vmem>> -> memref<8192xf32, #tpu.memory_space<vmem>>
    %dma_wait3A_1268 = tpu.memref_slice %arg2[%add3A_465] : memref<3407872xf32, #tpu.memory_space<hbm>> -> memref<8192xf32, #tpu.memory_space<hbm>>
    tpu.wait_dma2 semaphore(%arg5 : memref<!tpu.dma_semaphore, #tpu.memory_space<semaphore_mem>>) src(%dma_wait3A_1268 : memref<8192xf32, #tpu.memory_space<hbm>>) dst(%dma_wait3A_1267 : memref<8192xf32, #tpu.memory_space<vmem>>)
    %dma_wait3A_1269 = arith.constant 40960 : i32
    %dma_wait3A_1270 = tpu.memref_slice %arg4[%dma_wait3A_1269] : memref<106496xf32, #tpu.memory_space<vmem>> -> memref<8192xf32, #tpu.memory_space<vmem>>
    %dma_wait3A_1271 = tpu.memref_slice %arg2[%add3A_561] : memref<3407872xf32, #tpu.memory_space<hbm>> -> memref<8192xf32, #tpu.memory_space<hbm>>
    %dma_wait3A_1272 = arith.constant 40960 : i32
    %dma_wait3A_1273 = tpu.memref_slice %arg4[%dma_wait3A_1272] : memref<106496xf32, #tpu.memory_space<vmem>> -> memref<8192xf32, #tpu.memory_space<vmem>>
    %dma_wait3A_1274 = tpu.memref_slice %arg2[%add3A_561] : memref<3407872xf32, #tpu.memory_space<hbm>> -> memref<8192xf32, #tpu.memory_space<hbm>>
    tpu.wait_dma2 semaphore(%arg5 : memref<!tpu.dma_semaphore, #tpu.memory_space<semaphore_mem>>) src(%dma_wait3A_1274 : memref<8192xf32, #tpu.memory_space<hbm>>) dst(%dma_wait3A_1273 : memref<8192xf32, #tpu.memory_space<vmem>>)
    %dma_wait3A_1275 = arith.constant 49152 : i32
    %dma_wait3A_1276 = tpu.memref_slice %arg4[%dma_wait3A_1275] : memref<106496xf32, #tpu.memory_space<vmem>> -> memref<8192xf32, #tpu.memory_space<vmem>>
    %dma_wait3A_1277 = tpu.memref_slice %arg2[%add3A_657] : memref<3407872xf32, #tpu.memory_space<hbm>> -> memref<8192xf32, #tpu.memory_space<hbm>>
    %dma_wait3A_1278 = arith.constant 49152 : i32
    %dma_wait3A_1279 = tpu.memref_slice %arg4[%dma_wait3A_1278] : memref<106496xf32, #tpu.memory_space<vmem>> -> memref<8192xf32, #tpu.memory_space<vmem>>
    %dma_wait3A_1280 = tpu.memref_slice %arg2[%add3A_657] : memref<3407872xf32, #tpu.memory_space<hbm>> -> memref<8192xf32, #tpu.memory_space<hbm>>
    tpu.wait_dma2 semaphore(%arg5 : memref<!tpu.dma_semaphore, #tpu.memory_space<semaphore_mem>>) src(%dma_wait3A_1280 : memref<8192xf32, #tpu.memory_space<hbm>>) dst(%dma_wait3A_1279 : memref<8192xf32, #tpu.memory_space<vmem>>)
    %dma_wait3A_1281 = arith.constant 57344 : i32
    %dma_wait3A_1282 = tpu.memref_slice %arg4[%dma_wait3A_1281] : memref<106496xf32, #tpu.memory_space<vmem>> -> memref<8192xf32, #tpu.memory_space<vmem>>
    %dma_wait3A_1283 = tpu.memref_slice %arg2[%add3A_753] : memref<3407872xf32, #tpu.memory_space<hbm>> -> memref<8192xf32, #tpu.memory_space<hbm>>
    %dma_wait3A_1284 = arith.constant 57344 : i32
    %dma_wait3A_1285 = tpu.memref_slice %arg4[%dma_wait3A_1284] : memref<106496xf32, #tpu.memory_space<vmem>> -> memref<8192xf32, #tpu.memory_space<vmem>>
    %dma_wait3A_1286 = tpu.memref_slice %arg2[%add3A_753] : memref<3407872xf32, #tpu.memory_space<hbm>> -> memref<8192xf32, #tpu.memory_space<hbm>>
    tpu.wait_dma2 semaphore(%arg5 : memref<!tpu.dma_semaphore, #tpu.memory_space<semaphore_mem>>) src(%dma_wait3A_1286 : memref<8192xf32, #tpu.memory_space<hbm>>) dst(%dma_wait3A_1285 : memref<8192xf32, #tpu.memory_space<vmem>>)
    %dma_wait3A_1287 = arith.constant 65536 : i32
    %dma_wait3A_1288 = tpu.memref_slice %arg4[%dma_wait3A_1287] : memref<106496xf32, #tpu.memory_space<vmem>> -> memref<8192xf32, #tpu.memory_space<vmem>>
    %dma_wait3A_1289 = tpu.memref_slice %arg2[%add3A_849] : memref<3407872xf32, #tpu.memory_space<hbm>> -> memref<8192xf32, #tpu.memory_space<hbm>>
    %dma_wait3A_1290 = arith.constant 65536 : i32
    %dma_wait3A_1291 = tpu.memref_slice %arg4[%dma_wait3A_1290] : memref<106496xf32, #tpu.memory_space<vmem>> -> memref<8192xf32, #tpu.memory_space<vmem>>
    %dma_wait3A_1292 = tpu.memref_slice %arg2[%add3A_849] : memref<3407872xf32, #tpu.memory_space<hbm>> -> memref<8192xf32, #tpu.memory_space<hbm>>
    tpu.wait_dma2 semaphore(%arg5 : memref<!tpu.dma_semaphore, #tpu.memory_space<semaphore_mem>>) src(%dma_wait3A_1292 : memref<8192xf32, #tpu.memory_space<hbm>>) dst(%dma_wait3A_1291 : memref<8192xf32, #tpu.memory_space<vmem>>)
    %dma_wait3A_1293 = arith.constant 73728 : i32
    %dma_wait3A_1294 = tpu.memref_slice %arg4[%dma_wait3A_1293] : memref<106496xf32, #tpu.memory_space<vmem>> -> memref<8192xf32, #tpu.memory_space<vmem>>
    %dma_wait3A_1295 = tpu.memref_slice %arg2[%add3A_945] : memref<3407872xf32, #tpu.memory_space<hbm>> -> memref<8192xf32, #tpu.memory_space<hbm>>
    %dma_wait3A_1296 = arith.constant 73728 : i32
    %dma_wait3A_1297 = tpu.memref_slice %arg4[%dma_wait3A_1296] : memref<106496xf32, #tpu.memory_space<vmem>> -> memref<8192xf32, #tpu.memory_space<vmem>>
    %dma_wait3A_1298 = tpu.memref_slice %arg2[%add3A_945] : memref<3407872xf32, #tpu.memory_space<hbm>> -> memref<8192xf32, #tpu.memory_space<hbm>>
    tpu.wait_dma2 semaphore(%arg5 : memref<!tpu.dma_semaphore, #tpu.memory_space<semaphore_mem>>) src(%dma_wait3A_1298 : memref<8192xf32, #tpu.memory_space<hbm>>) dst(%dma_wait3A_1297 : memref<8192xf32, #tpu.memory_space<vmem>>)
    %dma_wait3A_1299 = arith.constant 81920 : i32
    %dma_wait3A_1300 = tpu.memref_slice %arg4[%dma_wait3A_1299] : memref<106496xf32, #tpu.memory_space<vmem>> -> memref<8192xf32, #tpu.memory_space<vmem>>
    %dma_wait3A_1301 = tpu.memref_slice %arg2[%add3A_1041] : memref<3407872xf32, #tpu.memory_space<hbm>> -> memref<8192xf32, #tpu.memory_space<hbm>>
    %dma_wait3A_1302 = arith.constant 81920 : i32
    %dma_wait3A_1303 = tpu.memref_slice %arg4[%dma_wait3A_1302] : memref<106496xf32, #tpu.memory_space<vmem>> -> memref<8192xf32, #tpu.memory_space<vmem>>
    %dma_wait3A_1304 = tpu.memref_slice %arg2[%add3A_1041] : memref<3407872xf32, #tpu.memory_space<hbm>> -> memref<8192xf32, #tpu.memory_space<hbm>>
    tpu.wait_dma2 semaphore(%arg5 : memref<!tpu.dma_semaphore, #tpu.memory_space<semaphore_mem>>) src(%dma_wait3A_1304 : memref<8192xf32, #tpu.memory_space<hbm>>) dst(%dma_wait3A_1303 : memref<8192xf32, #tpu.memory_space<vmem>>)
    %dma_wait3A_1305 = arith.constant 90112 : i32
    %dma_wait3A_1306 = tpu.memref_slice %arg4[%dma_wait3A_1305] : memref<106496xf32, #tpu.memory_space<vmem>> -> memref<8192xf32, #tpu.memory_space<vmem>>
    %dma_wait3A_1307 = tpu.memref_slice %arg2[%add3A_1137] : memref<3407872xf32, #tpu.memory_space<hbm>> -> memref<8192xf32, #tpu.memory_space<hbm>>
    %dma_wait3A_1308 = arith.constant 90112 : i32
    %dma_wait3A_1309 = tpu.memref_slice %arg4[%dma_wait3A_1308] : memref<106496xf32, #tpu.memory_space<vmem>> -> memref<8192xf32, #tpu.memory_space<vmem>>
    %dma_wait3A_1310 = tpu.memref_slice %arg2[%add3A_1137] : memref<3407872xf32, #tpu.memory_space<hbm>> -> memref<8192xf32, #tpu.memory_space<hbm>>
    tpu.wait_dma2 semaphore(%arg5 : memref<!tpu.dma_semaphore, #tpu.memory_space<semaphore_mem>>) src(%dma_wait3A_1310 : memref<8192xf32, #tpu.memory_space<hbm>>) dst(%dma_wait3A_1309 : memref<8192xf32, #tpu.memory_space<vmem>>)
    %dma_wait3A_1311 = arith.constant 98304 : i32
    %dma_wait3A_1312 = tpu.memref_slice %arg4[%dma_wait3A_1311] : memref<106496xf32, #tpu.memory_space<vmem>> -> memref<8192xf32, #tpu.memory_space<vmem>>
    %dma_wait3A_1313 = tpu.memref_slice %arg2[%add3A_1233] : memref<3407872xf32, #tpu.memory_space<hbm>> -> memref<8192xf32, #tpu.memory_space<hbm>>
    %dma_wait3A_1314 = arith.constant 98304 : i32
    %dma_wait3A_1315 = tpu.memref_slice %arg4[%dma_wait3A_1314] : memref<106496xf32, #tpu.memory_space<vmem>> -> memref<8192xf32, #tpu.memory_space<vmem>>
    %dma_wait3A_1316 = tpu.memref_slice %arg2[%add3A_1233] : memref<3407872xf32, #tpu.memory_space<hbm>> -> memref<8192xf32, #tpu.memory_space<hbm>>
    tpu.wait_dma2 semaphore(%arg5 : memref<!tpu.dma_semaphore, #tpu.memory_space<semaphore_mem>>) src(%dma_wait3A_1316 : memref<8192xf32, #tpu.memory_space<hbm>>) dst(%dma_wait3A_1315 : memref<8192xf32, #tpu.memory_space<vmem>>)
    %mul3A_1317 = arith.constant 8192 : i32
    %mul3A_1318 = arith.muli %mul3A_2, %mul3A_1317 : i32
    %dma_start3A_1319 = tpu.memref_slice %arg3[%mul3A_1318] : memref<3407872xf32, #tpu.memory_space<hbm>> -> memref<106496xf32, #tpu.memory_space<hbm>>
    %dma_start3A_1320 = tpu.memref_slice %arg3[%mul3A_1318] : memref<3407872xf32, #tpu.memory_space<hbm>> -> memref<106496xf32, #tpu.memory_space<hbm>>
    tpu.enqueue_dma source(%arg4 : memref<106496xf32, #tpu.memory_space<vmem>>) target(%dma_start3A_1320 : memref<106496xf32, #tpu.memory_space<hbm>>) target_semaphore(%arg6 : memref<!tpu.dma_semaphore, #tpu.memory_space<semaphore_mem>>)
    %dma_wait3A_1321 = tpu.memref_slice %arg3[%mul3A_1318] : memref<3407872xf32, #tpu.memory_space<hbm>> -> memref<106496xf32, #tpu.memory_space<hbm>>
    %dma_wait3A_1322 = tpu.memref_slice %arg3[%mul3A_1318] : memref<3407872xf32, #tpu.memory_space<hbm>> -> memref<106496xf32, #tpu.memory_space<hbm>>
    tpu.wait_dma2 semaphore(%arg6 : memref<!tpu.dma_semaphore, #tpu.memory_space<semaphore_mem>>) src(%arg4 : memref<106496xf32, #tpu.memory_space<vmem>>) dst(%dma_wait3A_1322 : memref<106496xf32, #tpu.memory_space<hbm>>)
    return
  }
}

module attributes {stable_mosaic.version = 14 : i64} {
  func.func @_ones_fill_body(%arg0: memref<8x26x128x128xi32, #tpu.memory_space<hbm>>, %arg1: memref<26x128x128xi32, #tpu.memory_space<vmem>>, %arg2: memref<8x!tpu.dma_semaphore, #tpu.memory_space<semaphore_mem>>) attributes {dimension_semantics = [], scalar_prefetch = 0 : i64, scratch_operands = 2 : i64, tpu.core_type = #tpu.core_type<tc>} {
    %broadcast_in_dim3A = arith.constant 1 : i32
    %broadcast_in_dim3A_0 = vector.broadcast %broadcast_in_dim3A : i32 to vector<26x128x128xi32>
    %swap3A = arith.constant 0 : index
    %swap3A_1 = arith.constant 0 : index
    %swap3A_2 = arith.constant 0 : index
    %swap3A_3 = vector.load %arg1[%swap3A, %swap3A_1, %swap3A_2] : memref<26x128x128xi32, #tpu.memory_space<vmem>>, vector<26x128x128xi32>
    tpu.vector_store %arg1[%swap3A, %swap3A_1, %swap3A_2], %broadcast_in_dim3A_0 {strides = array<i32>} : memref<26x128x128xi32, #tpu.memory_space<vmem>>, vector<26x128x128xi32>,
    %dma_start3A = arith.constant 0 : i32
    %dma_start3A_4 = arith.constant 0 : i32
    %dma_start3A_5 = tpu.memref_slice %arg2[%dma_start3A_4] : memref<8x!tpu.dma_semaphore, #tpu.memory_space<semaphore_mem>> -> memref<1x!tpu.dma_semaphore, #tpu.memory_space<semaphore_mem>>
    %dma_start3A_6 = tpu.memref_squeeze %dma_start3A_5 : memref<1x!tpu.dma_semaphore, #tpu.memory_space<semaphore_mem>> -> memref<!tpu.dma_semaphore, #tpu.memory_space<semaphore_mem>>
    %dma_start3A_7 = arith.constant 0 : i32
    %dma_start3A_8 = arith.constant 0 : i32
    %dma_start3A_9 = arith.constant 0 : i32
    %dma_start3A_10 = tpu.memref_slice %arg0[%dma_start3A, %dma_start3A_7, %dma_start3A_8, %dma_start3A_9] : memref<8x26x128x128xi32, #tpu.memory_space<hbm>> -> memref<1x26x128x128xi32, #tpu.memory_space<hbm>>
    %dma_start3A_11 = tpu.memref_squeeze %dma_start3A_10 : memref<1x26x128x128xi32, #tpu.memory_space<hbm>> -> memref<26x128x128xi32, #tpu.memory_space<hbm>>
    tpu.enqueue_dma source(%arg1 : memref<26x128x128xi32, #tpu.memory_space<vmem>>) target(%dma_start3A_11 : memref<26x128x128xi32, #tpu.memory_space<hbm>>) target_semaphore(%dma_start3A_6 : memref<!tpu.dma_semaphore, #tpu.memory_space<semaphore_mem>>)
    %dma_start3A_12 = arith.constant 1 : i32
    %dma_start3A_13 = arith.constant 1 : i32
    %dma_start3A_14 = tpu.memref_slice %arg2[%dma_start3A_13] : memref<8x!tpu.dma_semaphore, #tpu.memory_space<semaphore_mem>> -> memref<1x!tpu.dma_semaphore, #tpu.memory_space<semaphore_mem>>
    %dma_start3A_15 = tpu.memref_squeeze %dma_start3A_14 : memref<1x!tpu.dma_semaphore, #tpu.memory_space<semaphore_mem>> -> memref<!tpu.dma_semaphore, #tpu.memory_space<semaphore_mem>>
    %dma_start3A_16 = arith.constant 0 : i32
    %dma_start3A_17 = arith.constant 0 : i32
    %dma_start3A_18 = arith.constant 0 : i32
    %dma_start3A_19 = tpu.memref_slice %arg0[%dma_start3A_12, %dma_start3A_16, %dma_start3A_17, %dma_start3A_18] : memref<8x26x128x128xi32, #tpu.memory_space<hbm>> -> memref<1x26x128x128xi32, #tpu.memory_space<hbm>>
    %dma_start3A_20 = tpu.memref_squeeze %dma_start3A_19 : memref<1x26x128x128xi32, #tpu.memory_space<hbm>> -> memref<26x128x128xi32, #tpu.memory_space<hbm>>
    tpu.enqueue_dma source(%arg1 : memref<26x128x128xi32, #tpu.memory_space<vmem>>) target(%dma_start3A_20 : memref<26x128x128xi32, #tpu.memory_space<hbm>>) target_semaphore(%dma_start3A_15 : memref<!tpu.dma_semaphore, #tpu.memory_space<semaphore_mem>>)
    %dma_start3A_21 = arith.constant 2 : i32
    %dma_start3A_22 = arith.constant 2 : i32
    %dma_start3A_23 = tpu.memref_slice %arg2[%dma_start3A_22] : memref<8x!tpu.dma_semaphore, #tpu.memory_space<semaphore_mem>> -> memref<1x!tpu.dma_semaphore, #tpu.memory_space<semaphore_mem>>
    %dma_start3A_24 = tpu.memref_squeeze %dma_start3A_23 : memref<1x!tpu.dma_semaphore, #tpu.memory_space<semaphore_mem>> -> memref<!tpu.dma_semaphore, #tpu.memory_space<semaphore_mem>>
    %dma_start3A_25 = arith.constant 0 : i32
    %dma_start3A_26 = arith.constant 0 : i32
    %dma_start3A_27 = arith.constant 0 : i32
    %dma_start3A_28 = tpu.memref_slice %arg0[%dma_start3A_21, %dma_start3A_25, %dma_start3A_26, %dma_start3A_27] : memref<8x26x128x128xi32, #tpu.memory_space<hbm>> -> memref<1x26x128x128xi32, #tpu.memory_space<hbm>>
    %dma_start3A_29 = tpu.memref_squeeze %dma_start3A_28 : memref<1x26x128x128xi32, #tpu.memory_space<hbm>> -> memref<26x128x128xi32, #tpu.memory_space<hbm>>
    tpu.enqueue_dma source(%arg1 : memref<26x128x128xi32, #tpu.memory_space<vmem>>) target(%dma_start3A_29 : memref<26x128x128xi32, #tpu.memory_space<hbm>>) target_semaphore(%dma_start3A_24 : memref<!tpu.dma_semaphore, #tpu.memory_space<semaphore_mem>>)
    %dma_start3A_30 = arith.constant 3 : i32
    %dma_start3A_31 = arith.constant 3 : i32
    %dma_start3A_32 = tpu.memref_slice %arg2[%dma_start3A_31] : memref<8x!tpu.dma_semaphore, #tpu.memory_space<semaphore_mem>> -> memref<1x!tpu.dma_semaphore, #tpu.memory_space<semaphore_mem>>
    %dma_start3A_33 = tpu.memref_squeeze %dma_start3A_32 : memref<1x!tpu.dma_semaphore, #tpu.memory_space<semaphore_mem>> -> memref<!tpu.dma_semaphore, #tpu.memory_space<semaphore_mem>>
    %dma_start3A_34 = arith.constant 0 : i32
    %dma_start3A_35 = arith.constant 0 : i32
    %dma_start3A_36 = arith.constant 0 : i32
    %dma_start3A_37 = tpu.memref_slice %arg0[%dma_start3A_30, %dma_start3A_34, %dma_start3A_35, %dma_start3A_36] : memref<8x26x128x128xi32, #tpu.memory_space<hbm>> -> memref<1x26x128x128xi32, #tpu.memory_space<hbm>>
    %dma_start3A_38 = tpu.memref_squeeze %dma_start3A_37 : memref<1x26x128x128xi32, #tpu.memory_space<hbm>> -> memref<26x128x128xi32, #tpu.memory_space<hbm>>
    tpu.enqueue_dma source(%arg1 : memref<26x128x128xi32, #tpu.memory_space<vmem>>) target(%dma_start3A_38 : memref<26x128x128xi32, #tpu.memory_space<hbm>>) target_semaphore(%dma_start3A_33 : memref<!tpu.dma_semaphore, #tpu.memory_space<semaphore_mem>>)
    %dma_start3A_39 = arith.constant 4 : i32
    %dma_start3A_40 = arith.constant 4 : i32
    %dma_start3A_41 = tpu.memref_slice %arg2[%dma_start3A_40] : memref<8x!tpu.dma_semaphore, #tpu.memory_space<semaphore_mem>> -> memref<1x!tpu.dma_semaphore, #tpu.memory_space<semaphore_mem>>
    %dma_start3A_42 = tpu.memref_squeeze %dma_start3A_41 : memref<1x!tpu.dma_semaphore, #tpu.memory_space<semaphore_mem>> -> memref<!tpu.dma_semaphore, #tpu.memory_space<semaphore_mem>>
    %dma_start3A_43 = arith.constant 0 : i32
    %dma_start3A_44 = arith.constant 0 : i32
    %dma_start3A_45 = arith.constant 0 : i32
    %dma_start3A_46 = tpu.memref_slice %arg0[%dma_start3A_39, %dma_start3A_43, %dma_start3A_44, %dma_start3A_45] : memref<8x26x128x128xi32, #tpu.memory_space<hbm>> -> memref<1x26x128x128xi32, #tpu.memory_space<hbm>>
    %dma_start3A_47 = tpu.memref_squeeze %dma_start3A_46 : memref<1x26x128x128xi32, #tpu.memory_space<hbm>> -> memref<26x128x128xi32, #tpu.memory_space<hbm>>
    tpu.enqueue_dma source(%arg1 : memref<26x128x128xi32, #tpu.memory_space<vmem>>) target(%dma_start3A_47 : memref<26x128x128xi32, #tpu.memory_space<hbm>>) target_semaphore(%dma_start3A_42 : memref<!tpu.dma_semaphore, #tpu.memory_space<semaphore_mem>>)
    %dma_start3A_48 = arith.constant 5 : i32
    %dma_start3A_49 = arith.constant 5 : i32
    %dma_start3A_50 = tpu.memref_slice %arg2[%dma_start3A_49] : memref<8x!tpu.dma_semaphore, #tpu.memory_space<semaphore_mem>> -> memref<1x!tpu.dma_semaphore, #tpu.memory_space<semaphore_mem>>
    %dma_start3A_51 = tpu.memref_squeeze %dma_start3A_50 : memref<1x!tpu.dma_semaphore, #tpu.memory_space<semaphore_mem>> -> memref<!tpu.dma_semaphore, #tpu.memory_space<semaphore_mem>>
    %dma_start3A_52 = arith.constant 0 : i32
    %dma_start3A_53 = arith.constant 0 : i32
    %dma_start3A_54 = arith.constant 0 : i32
    %dma_start3A_55 = tpu.memref_slice %arg0[%dma_start3A_48, %dma_start3A_52, %dma_start3A_53, %dma_start3A_54] : memref<8x26x128x128xi32, #tpu.memory_space<hbm>> -> memref<1x26x128x128xi32, #tpu.memory_space<hbm>>
    %dma_start3A_56 = tpu.memref_squeeze %dma_start3A_55 : memref<1x26x128x128xi32, #tpu.memory_space<hbm>> -> memref<26x128x128xi32, #tpu.memory_space<hbm>>
    tpu.enqueue_dma source(%arg1 : memref<26x128x128xi32, #tpu.memory_space<vmem>>) target(%dma_start3A_56 : memref<26x128x128xi32, #tpu.memory_space<hbm>>) target_semaphore(%dma_start3A_51 : memref<!tpu.dma_semaphore, #tpu.memory_space<semaphore_mem>>)
    %dma_start3A_57 = arith.constant 6 : i32
    %dma_start3A_58 = arith.constant 6 : i32
    %dma_start3A_59 = tpu.memref_slice %arg2[%dma_start3A_58] : memref<8x!tpu.dma_semaphore, #tpu.memory_space<semaphore_mem>> -> memref<1x!tpu.dma_semaphore, #tpu.memory_space<semaphore_mem>>
    %dma_start3A_60 = tpu.memref_squeeze %dma_start3A_59 : memref<1x!tpu.dma_semaphore, #tpu.memory_space<semaphore_mem>> -> memref<!tpu.dma_semaphore, #tpu.memory_space<semaphore_mem>>
    %dma_start3A_61 = arith.constant 0 : i32
    %dma_start3A_62 = arith.constant 0 : i32
    %dma_start3A_63 = arith.constant 0 : i32
    %dma_start3A_64 = tpu.memref_slice %arg0[%dma_start3A_57, %dma_start3A_61, %dma_start3A_62, %dma_start3A_63] : memref<8x26x128x128xi32, #tpu.memory_space<hbm>> -> memref<1x26x128x128xi32, #tpu.memory_space<hbm>>
    %dma_start3A_65 = tpu.memref_squeeze %dma_start3A_64 : memref<1x26x128x128xi32, #tpu.memory_space<hbm>> -> memref<26x128x128xi32, #tpu.memory_space<hbm>>
    tpu.enqueue_dma source(%arg1 : memref<26x128x128xi32, #tpu.memory_space<vmem>>) target(%dma_start3A_65 : memref<26x128x128xi32, #tpu.memory_space<hbm>>) target_semaphore(%dma_start3A_60 : memref<!tpu.dma_semaphore, #tpu.memory_space<semaphore_mem>>)
    %dma_start3A_66 = arith.constant 7 : i32
    %dma_start3A_67 = arith.constant 7 : i32
    %dma_start3A_68 = tpu.memref_slice %arg2[%dma_start3A_67] : memref<8x!tpu.dma_semaphore, #tpu.memory_space<semaphore_mem>> -> memref<1x!tpu.dma_semaphore, #tpu.memory_space<semaphore_mem>>
    %dma_start3A_69 = tpu.memref_squeeze %dma_start3A_68 : memref<1x!tpu.dma_semaphore, #tpu.memory_space<semaphore_mem>> -> memref<!tpu.dma_semaphore, #tpu.memory_space<semaphore_mem>>
    %dma_start3A_70 = arith.constant 0 : i32
    %dma_start3A_71 = arith.constant 0 : i32
    %dma_start3A_72 = arith.constant 0 : i32
    %dma_start3A_73 = tpu.memref_slice %arg0[%dma_start3A_66, %dma_start3A_70, %dma_start3A_71, %dma_start3A_72] : memref<8x26x128x128xi32, #tpu.memory_space<hbm>> -> memref<1x26x128x128xi32, #tpu.memory_space<hbm>>
    %dma_start3A_74 = tpu.memref_squeeze %dma_start3A_73 : memref<1x26x128x128xi32, #tpu.memory_space<hbm>> -> memref<26x128x128xi32, #tpu.memory_space<hbm>>
    tpu.enqueue_dma source(%arg1 : memref<26x128x128xi32, #tpu.memory_space<vmem>>) target(%dma_start3A_74 : memref<26x128x128xi32, #tpu.memory_space<hbm>>) target_semaphore(%dma_start3A_69 : memref<!tpu.dma_semaphore, #tpu.memory_space<semaphore_mem>>)
    %dma_wait3A = arith.constant 0 : i32
    %dma_wait3A_75 = arith.constant 0 : i32
    %dma_wait3A_76 = tpu.memref_slice %arg2[%dma_wait3A_75] : memref<8x!tpu.dma_semaphore, #tpu.memory_space<semaphore_mem>> -> memref<1x!tpu.dma_semaphore, #tpu.memory_space<semaphore_mem>>
    %dma_wait3A_77 = tpu.memref_squeeze %dma_wait3A_76 : memref<1x!tpu.dma_semaphore, #tpu.memory_space<semaphore_mem>> -> memref<!tpu.dma_semaphore, #tpu.memory_space<semaphore_mem>>
    %dma_wait3A_78 = arith.constant 0 : i32
    %dma_wait3A_79 = arith.constant 0 : i32
    %dma_wait3A_80 = arith.constant 0 : i32
    %dma_wait3A_81 = tpu.memref_slice %arg0[%dma_wait3A, %dma_wait3A_78, %dma_wait3A_79, %dma_wait3A_80] : memref<8x26x128x128xi32, #tpu.memory_space<hbm>> -> memref<1x26x128x128xi32, #tpu.memory_space<hbm>>
    %dma_wait3A_82 = tpu.memref_squeeze %dma_wait3A_81 : memref<1x26x128x128xi32, #tpu.memory_space<hbm>> -> memref<26x128x128xi32, #tpu.memory_space<hbm>>
    tpu.wait_dma2 semaphore(%dma_wait3A_77 : memref<!tpu.dma_semaphore, #tpu.memory_space<semaphore_mem>>) src(%arg1 : memref<26x128x128xi32, #tpu.memory_space<vmem>>) dst(%dma_wait3A_82 : memref<26x128x128xi32, #tpu.memory_space<hbm>>)
    %dma_wait3A_83 = arith.constant 1 : i32
    %dma_wait3A_84 = arith.constant 1 : i32
    %dma_wait3A_85 = tpu.memref_slice %arg2[%dma_wait3A_84] : memref<8x!tpu.dma_semaphore, #tpu.memory_space<semaphore_mem>> -> memref<1x!tpu.dma_semaphore, #tpu.memory_space<semaphore_mem>>
    %dma_wait3A_86 = tpu.memref_squeeze %dma_wait3A_85 : memref<1x!tpu.dma_semaphore, #tpu.memory_space<semaphore_mem>> -> memref<!tpu.dma_semaphore, #tpu.memory_space<semaphore_mem>>
    %dma_wait3A_87 = arith.constant 0 : i32
    %dma_wait3A_88 = arith.constant 0 : i32
    %dma_wait3A_89 = arith.constant 0 : i32
    %dma_wait3A_90 = tpu.memref_slice %arg0[%dma_wait3A_83, %dma_wait3A_87, %dma_wait3A_88, %dma_wait3A_89] : memref<8x26x128x128xi32, #tpu.memory_space<hbm>> -> memref<1x26x128x128xi32, #tpu.memory_space<hbm>>
    %dma_wait3A_91 = tpu.memref_squeeze %dma_wait3A_90 : memref<1x26x128x128xi32, #tpu.memory_space<hbm>> -> memref<26x128x128xi32, #tpu.memory_space<hbm>>
    tpu.wait_dma2 semaphore(%dma_wait3A_86 : memref<!tpu.dma_semaphore, #tpu.memory_space<semaphore_mem>>) src(%arg1 : memref<26x128x128xi32, #tpu.memory_space<vmem>>) dst(%dma_wait3A_91 : memref<26x128x128xi32, #tpu.memory_space<hbm>>)
    %dma_wait3A_92 = arith.constant 2 : i32
    %dma_wait3A_93 = arith.constant 2 : i32
    %dma_wait3A_94 = tpu.memref_slice %arg2[%dma_wait3A_93] : memref<8x!tpu.dma_semaphore, #tpu.memory_space<semaphore_mem>> -> memref<1x!tpu.dma_semaphore, #tpu.memory_space<semaphore_mem>>
    %dma_wait3A_95 = tpu.memref_squeeze %dma_wait3A_94 : memref<1x!tpu.dma_semaphore, #tpu.memory_space<semaphore_mem>> -> memref<!tpu.dma_semaphore, #tpu.memory_space<semaphore_mem>>
    %dma_wait3A_96 = arith.constant 0 : i32
    %dma_wait3A_97 = arith.constant 0 : i32
    %dma_wait3A_98 = arith.constant 0 : i32
    %dma_wait3A_99 = tpu.memref_slice %arg0[%dma_wait3A_92, %dma_wait3A_96, %dma_wait3A_97, %dma_wait3A_98] : memref<8x26x128x128xi32, #tpu.memory_space<hbm>> -> memref<1x26x128x128xi32, #tpu.memory_space<hbm>>
    %dma_wait3A_100 = tpu.memref_squeeze %dma_wait3A_99 : memref<1x26x128x128xi32, #tpu.memory_space<hbm>> -> memref<26x128x128xi32, #tpu.memory_space<hbm>>
    tpu.wait_dma2 semaphore(%dma_wait3A_95 : memref<!tpu.dma_semaphore, #tpu.memory_space<semaphore_mem>>) src(%arg1 : memref<26x128x128xi32, #tpu.memory_space<vmem>>) dst(%dma_wait3A_100 : memref<26x128x128xi32, #tpu.memory_space<hbm>>)
    %dma_wait3A_101 = arith.constant 3 : i32
    %dma_wait3A_102 = arith.constant 3 : i32
    %dma_wait3A_103 = tpu.memref_slice %arg2[%dma_wait3A_102] : memref<8x!tpu.dma_semaphore, #tpu.memory_space<semaphore_mem>> -> memref<1x!tpu.dma_semaphore, #tpu.memory_space<semaphore_mem>>
    %dma_wait3A_104 = tpu.memref_squeeze %dma_wait3A_103 : memref<1x!tpu.dma_semaphore, #tpu.memory_space<semaphore_mem>> -> memref<!tpu.dma_semaphore, #tpu.memory_space<semaphore_mem>>
    %dma_wait3A_105 = arith.constant 0 : i32
    %dma_wait3A_106 = arith.constant 0 : i32
    %dma_wait3A_107 = arith.constant 0 : i32
    %dma_wait3A_108 = tpu.memref_slice %arg0[%dma_wait3A_101, %dma_wait3A_105, %dma_wait3A_106, %dma_wait3A_107] : memref<8x26x128x128xi32, #tpu.memory_space<hbm>> -> memref<1x26x128x128xi32, #tpu.memory_space<hbm>>
    %dma_wait3A_109 = tpu.memref_squeeze %dma_wait3A_108 : memref<1x26x128x128xi32, #tpu.memory_space<hbm>> -> memref<26x128x128xi32, #tpu.memory_space<hbm>>
    tpu.wait_dma2 semaphore(%dma_wait3A_104 : memref<!tpu.dma_semaphore, #tpu.memory_space<semaphore_mem>>) src(%arg1 : memref<26x128x128xi32, #tpu.memory_space<vmem>>) dst(%dma_wait3A_109 : memref<26x128x128xi32, #tpu.memory_space<hbm>>)
    %dma_wait3A_110 = arith.constant 4 : i32
    %dma_wait3A_111 = arith.constant 4 : i32
    %dma_wait3A_112 = tpu.memref_slice %arg2[%dma_wait3A_111] : memref<8x!tpu.dma_semaphore, #tpu.memory_space<semaphore_mem>> -> memref<1x!tpu.dma_semaphore, #tpu.memory_space<semaphore_mem>>
    %dma_wait3A_113 = tpu.memref_squeeze %dma_wait3A_112 : memref<1x!tpu.dma_semaphore, #tpu.memory_space<semaphore_mem>> -> memref<!tpu.dma_semaphore, #tpu.memory_space<semaphore_mem>>
    %dma_wait3A_114 = arith.constant 0 : i32
    %dma_wait3A_115 = arith.constant 0 : i32
    %dma_wait3A_116 = arith.constant 0 : i32
    %dma_wait3A_117 = tpu.memref_slice %arg0[%dma_wait3A_110, %dma_wait3A_114, %dma_wait3A_115, %dma_wait3A_116] : memref<8x26x128x128xi32, #tpu.memory_space<hbm>> -> memref<1x26x128x128xi32, #tpu.memory_space<hbm>>
    %dma_wait3A_118 = tpu.memref_squeeze %dma_wait3A_117 : memref<1x26x128x128xi32, #tpu.memory_space<hbm>> -> memref<26x128x128xi32, #tpu.memory_space<hbm>>
    tpu.wait_dma2 semaphore(%dma_wait3A_113 : memref<!tpu.dma_semaphore, #tpu.memory_space<semaphore_mem>>) src(%arg1 : memref<26x128x128xi32, #tpu.memory_space<vmem>>) dst(%dma_wait3A_118 : memref<26x128x128xi32, #tpu.memory_space<hbm>>)
    %dma_wait3A_119 = arith.constant 5 : i32
    %dma_wait3A_120 = arith.constant 5 : i32
    %dma_wait3A_121 = tpu.memref_slice %arg2[%dma_wait3A_120] : memref<8x!tpu.dma_semaphore, #tpu.memory_space<semaphore_mem>> -> memref<1x!tpu.dma_semaphore, #tpu.memory_space<semaphore_mem>>
    %dma_wait3A_122 = tpu.memref_squeeze %dma_wait3A_121 : memref<1x!tpu.dma_semaphore, #tpu.memory_space<semaphore_mem>> -> memref<!tpu.dma_semaphore, #tpu.memory_space<semaphore_mem>>
    %dma_wait3A_123 = arith.constant 0 : i32
    %dma_wait3A_124 = arith.constant 0 : i32
    %dma_wait3A_125 = arith.constant 0 : i32
    %dma_wait3A_126 = tpu.memref_slice %arg0[%dma_wait3A_119, %dma_wait3A_123, %dma_wait3A_124, %dma_wait3A_125] : memref<8x26x128x128xi32, #tpu.memory_space<hbm>> -> memref<1x26x128x128xi32, #tpu.memory_space<hbm>>
    %dma_wait3A_127 = tpu.memref_squeeze %dma_wait3A_126 : memref<1x26x128x128xi32, #tpu.memory_space<hbm>> -> memref<26x128x128xi32, #tpu.memory_space<hbm>>
    tpu.wait_dma2 semaphore(%dma_wait3A_122 : memref<!tpu.dma_semaphore, #tpu.memory_space<semaphore_mem>>) src(%arg1 : memref<26x128x128xi32, #tpu.memory_space<vmem>>) dst(%dma_wait3A_127 : memref<26x128x128xi32, #tpu.memory_space<hbm>>)
    %dma_wait3A_128 = arith.constant 6 : i32
    %dma_wait3A_129 = arith.constant 6 : i32
    %dma_wait3A_130 = tpu.memref_slice %arg2[%dma_wait3A_129] : memref<8x!tpu.dma_semaphore, #tpu.memory_space<semaphore_mem>> -> memref<1x!tpu.dma_semaphore, #tpu.memory_space<semaphore_mem>>
    %dma_wait3A_131 = tpu.memref_squeeze %dma_wait3A_130 : memref<1x!tpu.dma_semaphore, #tpu.memory_space<semaphore_mem>> -> memref<!tpu.dma_semaphore, #tpu.memory_space<semaphore_mem>>
    %dma_wait3A_132 = arith.constant 0 : i32
    %dma_wait3A_133 = arith.constant 0 : i32
    %dma_wait3A_134 = arith.constant 0 : i32
    %dma_wait3A_135 = tpu.memref_slice %arg0[%dma_wait3A_128, %dma_wait3A_132, %dma_wait3A_133, %dma_wait3A_134] : memref<8x26x128x128xi32, #tpu.memory_space<hbm>> -> memref<1x26x128x128xi32, #tpu.memory_space<hbm>>
    %dma_wait3A_136 = tpu.memref_squeeze %dma_wait3A_135 : memref<1x26x128x128xi32, #tpu.memory_space<hbm>> -> memref<26x128x128xi32, #tpu.memory_space<hbm>>
    tpu.wait_dma2 semaphore(%dma_wait3A_131 : memref<!tpu.dma_semaphore, #tpu.memory_space<semaphore_mem>>) src(%arg1 : memref<26x128x128xi32, #tpu.memory_space<vmem>>) dst(%dma_wait3A_136 : memref<26x128x128xi32, #tpu.memory_space<hbm>>)
    %dma_wait3A_137 = arith.constant 7 : i32
    %dma_wait3A_138 = arith.constant 7 : i32
    %dma_wait3A_139 = tpu.memref_slice %arg2[%dma_wait3A_138] : memref<8x!tpu.dma_semaphore, #tpu.memory_space<semaphore_mem>> -> memref<1x!tpu.dma_semaphore, #tpu.memory_space<semaphore_mem>>
    %dma_wait3A_140 = tpu.memref_squeeze %dma_wait3A_139 : memref<1x!tpu.dma_semaphore, #tpu.memory_space<semaphore_mem>> -> memref<!tpu.dma_semaphore, #tpu.memory_space<semaphore_mem>>
    %dma_wait3A_141 = arith.constant 0 : i32
    %dma_wait3A_142 = arith.constant 0 : i32
    %dma_wait3A_143 = arith.constant 0 : i32
    %dma_wait3A_144 = tpu.memref_slice %arg0[%dma_wait3A_137, %dma_wait3A_141, %dma_wait3A_142, %dma_wait3A_143] : memref<8x26x128x128xi32, #tpu.memory_space<hbm>> -> memref<1x26x128x128xi32, #tpu.memory_space<hbm>>
    %dma_wait3A_145 = tpu.memref_squeeze %dma_wait3A_144 : memref<1x26x128x128xi32, #tpu.memory_space<hbm>> -> memref<26x128x128xi32, #tpu.memory_space<hbm>>
    tpu.wait_dma2 semaphore(%dma_wait3A_140 : memref<!tpu.dma_semaphore, #tpu.memory_space<semaphore_mem>>) src(%arg1 : memref<26x128x128xi32, #tpu.memory_space<vmem>>) dst(%dma_wait3A_145 : memref<26x128x128xi32, #tpu.memory_space<hbm>>)
    return
  }
}

</mosaic_0001>

<sc_bundles>
// kernel: kernel.4.cloned.1.call-start
scs
__scs_entry_jumppad:
0x0: {  	(pc) =	sbr.rel $0x88, $3  }
0x1: {  	(tag) =	ssettag $0x0;
	lr =	simm.s32 $0x1  }
0x2: {  	[smem:$0x3FA0] =	sst lr;
	_ =	strace $0xD0000000  }
0x3: {  	_ = 	snop  }
0x4: {  	_ = 	snop  }
0x5: {  	_ = 	snop  }
0x6: {  	_ = 	snop  }
0x7: {  	_ = 	snop  }
__scs_overlays_trampoline_lowered:
0x8: {  	[smem:$0x3FAF] =	sst s0  }
0x9: {  	[smem:$0x3FB0] =	sst s1  }
0xa: {  	[smem:$0x3FB1] =	sst s2  }
0xb: {  	[smem:$0x3FB2] =	sst s3  }
0xc: {  	[smem:$0x3FB3] =	sst s4  }
0xd: {  	[smem:$0x3FB4] =	sst s5  }
0xe: {  	[smem:$0x3FB5] =	sst s6  }
0xf: {  	[smem:$0x3FB6] =	sst s7  }
0x10: {  	[smem:$0x3FB7] =	sst s8  }
0x11: {  	[smem:$0x3FB8] =	sst s9;
	s0 =	simm.s32 @!p0 $0x0  }
0x12: {  	s1 =	sld [smem:$0x3F9E];
	s0 =	simm.s32 @p0 $0x1  }
0x13: {  	[smem:$0x3FB9] =	sst s0;
	s0 =	simm.s32 @!p1 $0x0  }
0x14: {  	s2 =	sld [smem:$0x3F9D];
	s0 =	simm.s32 @p1 $0x1  }
0x15: {  	[smem:$0x3FBA] =	sst s0;
	s0 =	simm.s32 @!p2 $0x0  }
0x16: {  	s3 =	sld [smem:$0x3FDB];
	s0 =	simm.s32 @p2 $0x1  }
0x17: {  	s4 =	simm.s32 $0x1BF5;
	[smem:$0x3FBC] =	sst s0  }
0x18: {  	s0 =	sld [smem:$0x3F9F];
	_ =	swait.ge [sflag:s4], $0x0  }
0x19: {  	s7 =	sld [smem:$0x3FA0]  }
0x1a: {  	s8 =	sadd.s32 $0xFFFFE003, lr  }
0x1b: {  	s9 =	sadd.s32 $0xFFFFFEF7, lr;
	s5 =	simm.s32 $0xFFFFFFFF;
	p2 =	slt.u32 s8, $0xFFFFF086  }
0x1c: {  	p1 =	slt.u32 s9, $0xF7A;
	s5 =	simm.s32 @!p2 $0x0  }
0x1d: {  	s5 =	simm.s32 @p1 $0x1;
	p0 =	seq.s32 s7, s2  }
0x1e: {  	s7 =	smul.u32 @!p0 $0xF7A, s2;
	p2 =	seq.s32 @!p0 s5, $0x0  }
0x1f: {  	s9 =	smul.u32 $0xF7A, s1;
	s8 =	simm.s32 @!p0 $0x1BF5;
	p2 =	por !p2, p0  }
0x20: {  	[sflag:s8] =	ssyncset.s32 @!p0 $0xFFFFF086;
	s6 =	sadd.s32 @!p0 s3, s7;
	s7 =	simm.s32 @!p0 $0x108  }
0x21: {  	s3 =	sadd.s32 s3, s9;
	s6 =	sadd.s32 @!p0 $0x88, s6;
	s7 =	simm.s32 @p2 $0x1082  }
0x22: {  	[simem:s7], [sflag:s8] =	dma.local @!p0 [hbm:s6], $0xF7A  }
0x23: {  	s9 =	sor.u32 $0xD0000000, s2;
	s6 =	simm.s32 $0x108;
	_ =	swait.ge @!p0 [sflag:s8], $0x0  }
0x24: {  	s3 =	sadd.s32 $0x88, s3;
	s6 =	simm.s32 @!p1 $0x1082;
	[sflag:s4] =	ssyncset.s32 $0xFFFFF086  }
0x25: {  	[simem:s6], [sflag:s4] =	dma.local [hbm:s3], $0xF7A  }
0x26: {  	[smem:$0x3FA0] =	sst s1;
	(tag) =	ssettag s2;
	_ =	strace s9  }
0x27: {  	s1 =	sld [smem:$0x3FB0]  }
0x28: {  	s2 =	sld [smem:$0x3FB1]  }
0x29: {  	s4 =	sld [smem:$0x3FB3]  }
0x2a: {  	p0 =	seq.s32 s5, $0x0;
	s5 =	sld [smem:$0x3FB4]  }
0x2b: {  	s6 =	sld [smem:$0x3FB5]  }
0x2c: {  	s7 =	sld [smem:$0x3FB6]  }
0x2d: {  	s3 =	simm.s32 $0x108;
	s8 =	sld [smem:$0x3FB7]  }
0x2e: {  	s3 =	simm.s32 @!p0 $0x1082;
	s9 =	sld [smem:$0x3FB8]  }
0x2f: {  	lr =	sadd.s32 s0, s3;
	s0 =	sld [smem:$0x3FAF]  }
0x30: {  	s3 =	sld [smem:$0x3FB2]  }
0x31: {  	[smem:$0x3FBB] =	sst s10  }
0x32: {  	s10 =	sld [smem:$0x3FB9];
	_ =	sdelay $0x3  }
0x33: {  	p0 =	seq.s32 s10, $0x1;
	s10 =	sld [smem:$0x3FBB];
	_ =	sdelay $0x3  }
0x34: {  	[smem:$0x3FBB] =	sst s10  }
0x35: {  	s10 =	sld [smem:$0x3FBA];
	_ =	sdelay $0x3  }
0x36: {  	p1 =	seq.s32 s10, $0x1;
	s10 =	sld [smem:$0x3FBB];
	_ =	sdelay $0x3  }
0x37: {  	[smem:$0x3FBB] =	sst s10  }
0x38: {  	s10 =	sld [smem:$0x3FBC]  }
0x39: {  	_ = 	snop;
	(pc) =	sbr.ind lr, $3  }
0x3a: {  	_ = 	snop  }
0x3b: {  	_ = 	snop  }
0x3c: {  	p2 =	seq.s32 s10, $0x1;
	s10 =	sld [smem:$0x3FBB]  }
0x3d: {  	_ =	shalt  }
0x3e: {  	_ =	shalt  }
0x3f: {  	_ =	shalt  }
0x40: {  	_ =	shalt  }
0x41: {  	_ =	shalt  }
0x42: {  	_ =	shalt  }
0x43: {  	_ =	shalt  }
0x44: {  	_ =	shalt  }
0x45: {  	_ =	shalt  }
0x46: {  	_ =	shalt  }
0x47: {  	_ =	shalt  }
0x48: {  	_ =	shalt  }
0x49: {  	_ =	shalt  }
0x4a: {  	_ =	shalt  }
0x4b: {  	_ =	shalt  }
0x4c: {  	_ =	shalt  }
0x4d: {  	_ =	shalt  }
0x4e: {  	_ =	shalt  }
0x4f: {  	_ =	shalt  }
0x50: {  	_ =	shalt  }
0x51: {  	_ =	shalt  }
0x52: {  	_ =	shalt  }
0x53: {  	_ =	shalt  }
0x54: {  	_ =	shalt  }
0x55: {  	_ =	shalt  }
0x56: {  	_ =	shalt  }
0x57: {  	_ =	shalt  }
0x58: {  	_ =	shalt  }
0x59: {  	_ =	shalt  }
0x5a: {  	_ =	shalt  }
0x5b: {  	_ =	shalt  }
0x5c: {  	_ =	shalt  }
0x5d: {  	_ =	shalt  }
0x5e: {  	_ =	shalt  }
0x5f: {  	_ =	shalt  }
0x60: {  	_ =	shalt  }
0x61: {  	_ =	shalt  }
0x62: {  	_ =	shalt  }
0x63: {  	_ =	shalt  }
0x64: {  	_ =	shalt  }
0x65: {  	_ =	shalt  }
0x66: {  	_ =	shalt  }
0x67: {  	_ =	shalt  }
0x68: {  	_ =	shalt  }
0x69: {  	_ =	shalt  }
0x6a: {  	_ =	shalt  }
0x6b: {  	_ =	shalt  }
0x6c: {  	_ =	shalt  }
0x6d: {  	_ =	shalt  }
0x6e: {  	_ =	shalt  }
0x6f: {  	_ =	shalt  }
0x70: {  	_ =	shalt  }
0x71: {  	_ =	shalt  }
0x72: {  	_ =	shalt  }
0x73: {  	_ =	shalt  }
0x74: {  	_ =	shalt  }
0x75: {  	_ =	shalt  }
0x76: {  	_ =	shalt  }
0x77: {  	_ =	shalt  }
0x78: {  	_ =	shalt  }
0x79: {  	_ =	shalt  }
0x7a: {  	_ =	shalt  }
0x7b: {  	_ =	shalt  }
0x7c: {  	_ =	shalt  }
0x7d: {  	_ =	shalt  }
0x7e: {  	_ =	shalt  }
0x7f: {  	_ =	shalt  }
0x80: {  	_ =	shalt  }
0x81: {  	_ =	shalt  }
0x82: {  	_ =	shalt  }
0x83: {  	_ =	shalt  }
0x84: {  	_ =	shalt  }
0x85: {  	_ =	shalt  }
0x86: {  	_ =	shalt  }
0x87: {  	_ =	shalt  }
.Lfunc_end0:
.L_simem_size_0:
called_computation_lowered:
.L_overlay_start_0:
0x88: {  	s2 =	sld [smem:$0x3FD9]  }
0x89: {  	s3 =	sld [smem:$0x3FFE];
	_ =	sdelay $0x1  }
0x8a: {  	s1 =	srdreg.scid  }
0x8b: {  	s0 =	sand.u32 $0x1, s1  }
0x8c: {  	s15 =	sshll.u32 s0, $0xA;
	s2 =	sadd.s32 s3, s2  }
0x8d: {  	s2 =	sadd.s32 s2, s15  }
0x8e: {  	[smem:$0x3FC7] =	sst s2  }
0x8f: {  	_ = 	snop  }
0x90: {  	s2 =	sld [smem:$0x3FD0];
	_ =	sdelay $0x2  }
0x91: {  	s4 =	simm.s32 $0xA;
	s5 =	simm.s32 $0x10;
	s16 =	sld [smem:$0x3FC9]  }
0x92: {  	[smem:s5], [sflag:s4] =	dma.local [hbm:s2], $0x1  }
0x93: {  	_ =	swait.eq [sflag:s4], $0x1  }
0x94: {  	[sflag:s4] =	ssyncset.done $0x0  }
0x95: {  	[sflag:s4] =	ssyncadd.s32 $0xFFFFFFFF  }
0x96: {  	s17 =	sld [smem:$0x11];
	(tm) =	ssettm $0x1  }
0x97: {  	s18 =	sld [smem:$0x3FFB];
	_ =	sdelay $0x3  }
0x98: {  	_ =	strace s18  }
0x99: {  	s4 =	sld [smem:$0x3FFC];
	_ =	sdelay $0x3  }
0x9a: {  	_ =	strace s4  }
0x9b: {  	s4 =	sld [smem:$0x3FFD];
	_ =	sdelay $0x3  }
0x9c: {  	_ =	strace s4  }
0x9d: {  	_ =	strace $0x8FFFFFFF  }
0x9e: {  	s19 =	sld [smem:$0x3FDB];
	_ =	sdelay $0x1  }
0x9f: {  	s20 =	simm.s32 $_scs_section_size  }
0xa0: {  	s6 =	simm.s32 $_size__tile_overlayer_lowered;
	s7 =	simm.s32 $_tile_overlayer_lowered  }
0xa1: {  	s23 =	simm.s32 $0x1BFF;
	s22 =	sshll.u32 s7, $0x1;
	s4 =	sadd.s32 s20, s19  }
0xa2: {  	s8 =	simm.s32 $0x0;
	s21 =	sshll.u32 s6, $0x1;
	s6 =	sadd.s32 s22, s4  }
0xa3: {  	[timem:s8], [sflag:s23] =	dma.local [hbm:s6], s21  }
0xa4: {  	_ =	swait.ge [sflag:s23], s21  }
0xa5: {  	s5 =	ssub.s32 $0x0, s21;
	[sflag:s23] =	ssyncset.done $0x0  }
0xa6: {  	[sflag:s23] =	ssyncadd.s32 s5;
	_ =	sdelay $0x1  }
0xa7: {  	s24 =	simm.s32 $0x1B8B  }
0xa8: {  	_ =	swait.ge [sflag:s24], $0x1  }
0xa9: {  	[sflag:s24] =	ssyncset.done $0x0  }
0xaa: {  	s25 =	simm.s32 $0x1B8E;
	[sflag:s24] =	ssyncadd.s32 $0xFFFFFFFF  }
0xab: {  	s26 =	simm.s32 $execute0_lowered;
	[smem:$0x3FD2] =	sst s25  }
0xac: {  	s5 =	sshll.u32 s26, $0x1;
	_ =	strace $0x80000046;
	[dreg:$0x1] =	wrdreg $0xFFFFFFFF  }
0xad: {  	s28 =	simm.s32 $_size_execute0_lowered;
	s4 =	sadd.s32 s4, s5;
	[dreg:$0x0] =	wrdreg $0x0  }
0xae: {  	s5 =	sshll.u32 s28, $0x1;
	[dreg:$0x2] =	wrdreg s4  }
0xaf: {  	[dreg:$0x3] =	wrdreg s5  }
0xb0: {  	[dreg:$0x4] =	wrdreg $0xC0  }
0xb1: {  	_ =	task [dreg:s8], $0x5FFFF  }
0xb2: {  	[dreg:$0x1] =	wrdreg $0xFFFFFFFF  }
0xb3: {  	[dreg:$0x0] =	wrdreg $0x60  }
0xb4: {  	[dreg:$0x2] =	wrdreg s16  }
0xb5: {  	[dreg:$0x3] =	wrdreg s17  }
0xb6: {  	[dreg:$0x4] =	wrdreg $0x9  }
0xb7: {  	_ =	task.clear_ibuf [dreg:s8], $0x5FFFF;
	_ =	strace $0x90000046  }
0xb8: {  	s29 =	simm.s32 $0x9;
	_ =	strace $0x80000048  }
0xb9: {  	_ =	swait.ge [sflag:s29], $0x1  }
0xba: {  	[sflag:s29] =	ssyncadd.s32 $0xFFFFFFFF  }
0xbb: {  	_ =	strace $0x90000048  }
0xbc: {  	_ =	sfence  }
0xbd: {  	s30 =	sld [smem:$0x0];
	_ =	sdelay $0x2  }
0xbe: {  	s31 =	sshll.u32 s1, $0xD;
	s1 =	sshrl.u32 s1, $0x2  }
0xbf: {  	s3 =	sand.u32 $0x4000, s31;
	s1 =	sadd.s32 s1, s30  }
0xc0: {  	s0 =	sor.u32 s3, s0;
	s1 =	sshll.u32 s1, $0x11  }
0xc1: {  	s0 =	sor.u32 s1, s0  }
0xc2: {  	s0 =	sadd.s32 $0x8F2B, s0  }
0xc3: {  	[sflag:s0] =	ssyncadd.remote.s32 $0x1  }
0xc4: {  	_ =	sfence.sel $0xFFFF  }
0xc5: {  	[dreg:$0x0] =	wrdreg $0xFFFFFFFF;
	(pc) =	sbr.abs _section_cstart, $3  }
0xc6: {  	[dreg:$0x1] =	wrdreg $0xFFFFFFFF  }
0xc7: {  	_ =	task.clear_ibuf [dreg:s8], $0x2FFFF;
	_ =	strace $0x9FFFFFFF  }
0xc8: {  	(tm) =	ssettm $0x7FFFFFFF  }
0xc9: {  	_ =	shalt  }
tec
execute0_lowered:
.L_overlay_start_1:
0x0: {  	(tag) =	ssettag $0x1  }
0x1: {  	s1 =	srdreg.scid;
	s0 =	stileid.u32  }
0x2: {  	s10 =	rddreg [dreg:$0x0];
	s1 =	sand.u32 $0x1, s1;
	s2 =	sshll.u32 s0, $0x1  }
0x3: {  	s13 =	rddreg [dreg:$0x1];
	p0 =	por $0x0, $0x0;
	s14 =	sor.u32 s1, s2  }
0x4: {  	s2 =	simm.s32 $0x0;
	s4 =	ssub.s32 $0x2, s1;
	s15 =	sshll.u32 s1, $0xD  }
0x5: {  	s16 =	smul.u32 $0xD, s14;
	[smem:$0x7FF] =	sst s2;
	s6 =	sshrl.u32 s4, $0x1  }
0x6: {  	s14 =	smul.u32 $0x3400, s14;
	_ =	strace $0x80000047;
	s18 =	ssub.s32 s4, s6  }
0x7: {  	s3 =	sshrl.u32 s16, $0x1;
	s5 =	sshrl.u32 s16, $0x4;
	s24 =	sadd.s32 $0x1, s16  }
0x8: {  	s26 =	sadd.s32 $0x2, s16;
	s11 =	sadd.s32 $0x3, s16;
	s3 =	sand.u32 $0x7, s3  }
0x9: {  	s25 =	sshrl.u32 s24, $0x1;
	s8 =	sshrl.u32 s24, $0x4;
	s7 =	sshrl.u32 s26, $0x1  }
0xa: {  	s4 =	sshrl.u32 s26, $0x4;
	s12 =	sshrl.u32 s11, $0x1;
	s21 =	sshrl.u32 s11, $0x4  }
0xb: {  	s6 =	sshll.u32 s11, $0xD;
	s3 =	smul.u32 $0x1A, s3;
	s1 =	sand.u32 $0x7, s25  }
0xc: {  	s9 =	sand.u32 $0x7, s7;
	s6 =	sand.u32 $0x2000, s6;
	s1 =	smul.u32 $0x1A, s1  }
0xd: {  	s3 =	sadd.s32 s5, s3;
	s5 =	sshll.u32 s24, $0xD;
	s24 =	sadd.s32 $0x5, s16  }
0xe: {  	s3 =	sshll.u32 s3, $0xE;
	s1 =	sadd.s32 s8, s1;
	s5 =	sand.u32 $0x2000, s5  }
0xf: {  	s8 =	sadd.s32 $0x4, s16;
	s26 =	sshrl.u32 s24, $0x1;
	s7 =	sshll.u32 s24, $0xD  }
0x10: {  	s3 =	sor.u32 s15, s3;
	s1 =	sshll.u32 s1, $0xE;
	s23 =	sshrl.u32 s8, $0x1  }
0x11: {  	s25 =	sshrl.u32 s8, $0x4;
	s8 =	sand.u32 $0x7, s26;
	s3 =	sshrl.u32 s3, $0x3  }
0x12: {  	s1 =	sor.u32 s5, s1;
	s11 =	smul.u32 $0x1A, s8;
	s3 =	sadd.s32 s10, s3  }
0x13: {  	s5 =	sand.u32 $0x7, s23;
	[dreg:$0x3] =	wrdreg s3;
	s3 =	smul.u32 $0x1A, s9  }
0x14: {  	s7 =	sand.u32 $0x2000, s7;
	s1 =	sshrl.u32 s1, $0x3;
	s5 =	smul.u32 $0x1A, s5  }
0x15: {  	s3 =	sadd.s32 s4, s3;
	s4 =	sand.u32 $0x7, s12;
	s12 =	sshrl.u32 s24, $0x4  }
0x16: {  	s17 =	sshll.u32 s3, $0xE;
	s20 =	smul.u32 $0x1A, s4;
	s8 =	sadd.s32 s12, s11  }
0x17: {  	s3 =	sadd.s32 s10, s1;
	s19 =	sor.u32 s15, s17;
	s17 =	sshll.u32 s8, $0xE  }
0x18: {  	s1 =	sshrl.u32 s19, $0x3;
	s22 =	sadd.s32 s21, s20;
	s20 =	sadd.s32 $0x7, s16  }
0x19: {  	s4 =	sadd.s32 s10, s1;
	s1 =	sshll.u32 s22, $0xE;
	s12 =	sshrl.u32 s20, $0x1  }
0x1a: {  	s24 =	sshrl.u32 s20, $0x4;
	s1 =	sor.u32 s6, s1;
	s6 =	sadd.s32 s25, s5  }
0x1b: {  	s22 =	sand.u32 $0x7, s12;
	s1 =	sshrl.u32 s1, $0x3;
	s9 =	sshll.u32 s6, $0xE  }
0x1c: {  	s5 =	sadd.s32 s10, s1;
	s1 =	sor.u32 s15, s9;
	s9 =	sadd.s32 $0x6, s16  }
0x1d: {  	s25 =	sadd.s32 $0x8, s16;
	s1 =	sshrl.u32 s1, $0x3;
	s11 =	sshrl.u32 s9, $0x1  }
0x1e: {  	s9 =	sshrl.u32 s9, $0x4;
	s6 =	sadd.s32 s10, s1;
	s19 =	sand.u32 $0x7, s11  }
0x1f: {  	s1 =	sor.u32 s7, s17;
	s11 =	sshll.u32 s20, $0xD;
	s8 =	smul.u32 $0x1A, s19  }
0x20: {  	s17 =	sadd.s32 $0x9, s16;
	s20 =	sshrl.u32 s25, $0x4;
	s1 =	sshrl.u32 s1, $0x3  }
0x21: {  	s19 =	sshrl.u32 s25, $0x1;
	s21 =	sadd.s32 s9, s8;
	s8 =	smul.u32 $0x1A, s22  }
0x22: {  	s11 =	sand.u32 $0x2000, s11;
	s25 =	sadd.s32 $0xA, s16;
	s9 =	sshll.u32 s21, $0xE  }
0x23: {  	s7 =	sadd.s32 s10, s1;
	s23 =	sor.u32 s15, s9;
	s9 =	sadd.s32 s24, s8  }
0x24: {  	s24 =	sshll.u32 s17, $0xD;
	s1 =	sshrl.u32 s23, $0x3;
	s26 =	sshll.u32 s9, $0xE  }
0x25: {  	s9 =	sand.u32 $0x7, s19;
	s19 =	sshrl.u32 s17, $0x1;
	s23 =	sshrl.u32 s17, $0x4  }
0x26: {  	s17 =	sshrl.u32 s25, $0x4;
	s9 =	smul.u32 $0x1A, s9;
	s21 =	sand.u32 $0x7, s19  }
0x27: {  	s8 =	sadd.s32 s10, s1;
	s1 =	sor.u32 s11, s26;
	s12 =	smul.u32 $0x1A, s21  }
0x28: {  	s26 =	sshrl.u32 s25, $0x1;
	s1 =	sshrl.u32 s1, $0x3;
	s11 =	sadd.s32 s20, s9  }
0x29: {  	s19 =	sand.u32 $0x7, s26;
	s22 =	sshll.u32 s11, $0xE;
	s11 =	sadd.s32 s23, s12  }
0x2a: {  	s9 =	sadd.s32 s10, s1;
	s12 =	sand.u32 $0x2000, s24;
	s11 =	sshll.u32 s11, $0xE  }
0x2b: {  	s21 =	smul.u32 $0x1A, s19;
	s1 =	sor.u32 s15, s22;
	s12 =	sor.u32 s12, s11  }
0x2c: {  	s22 =	sadd.s32 $0xB, s16;
	s16 =	sadd.s32 $0xC, s16;
	s20 =	sshrl.u32 s12, $0x3  }
0x2d: {  	s1 =	sshrl.u32 s1, $0x3;
	s12 =	sadd.s32 s10, s20;
	s20 =	sshrl.u32 s22, $0x1  }
0x2e: {  	s24 =	sshrl.u32 s16, $0x1;
	s11 =	sadd.s32 s10, s1;
	s23 =	sand.u32 $0x7, s20  }
0x2f: {  	s1 =	sadd.s32 s17, s21;
	s20 =	sand.u32 $0x7, s24;
	s17 =	smul.u32 $0x1A, s23  }
0x30: {  	s19 =	sshll.u32 s22, $0xD;
	s21 =	sshrl.u32 s22, $0x4;
	s20 =	smul.u32 $0x1A, s20  }
0x31: {  	s16 =	sshrl.u32 s16, $0x4;
	s19 =	sand.u32 $0x2000, s19;
	s17 =	sadd.s32 s21, s17  }
0x32: {  	s1 =	sshll.u32 s1, $0xE;
	s16 =	sadd.s32 s16, s20;
	s17 =	sshll.u32 s17, $0xE  }
0x33: {  	s1 =	sor.u32 s15, s1;
	s16 =	sshll.u32 s16, $0xE;
	s17 =	sor.u32 s19, s17  }
0x34: {  	s1 =	sshrl.u32 s1, $0x3;
	s25 =	sor.u32 s15, s16;
	s17 =	sshrl.u32 s17, $0x3  }
0x35: {  	s15 =	sadd.s32 s10, s1;
	s26 =	sshrl.u32 s25, $0x3;
	s16 =	sadd.s32 s10, s17  }
0x36: {  	s17 =	sadd.s32 s10, s26;
	s10 =	sadd.s32 s13, s14;
	s14 =	smax.u32 s18, $0x1  }
0x37: {  	s28 =	simm.s32 $0x14000;
	s29 =	simm.s32 $0x16000;
	p1 =	sne.s32 s14, $0x1  }
.Ltmp0:
0x38: {  	s30 =	simm.s32 $0x18000;
	s22 =	simm.s32 $0xA000;
	(pc) =	sbr.rel @!p1 .LBB2_3-.Ltmp0, $4  }
0x39: {  	s24 =	simm.s32 $0xE000;
	s23 =	simm.s32 $0xC000;
	s20 =	simm.s32 $0x6000  }
0x3a: {  	s21 =	simm.s32 $0x8000;
	s19 =	simm.s32 $0x4000;
	s1 =	rddreg [dreg:$0x3]  }
0x3b: {  	s25 =	simm.s32 $0x10000;
	s18 =	simm.s32 $0x2000;
	s26 =	simm.s32 $0x12000  }
0x3c: {  	s13 =	simm.s32 $0x2;
	s31 =	sadd.s32 $0xFFFFFFFF, s14;
	s14 =	simm.s32 $0x1  }
0x3d: {  	[tilespmem:s2], [sflag:$0x1] =	stream.linear.gather [hbm4b:s1+s2], $0x2000, $0x38;
	[tilespmem:$0x1A000] =	vst v63  }
0x3e: {  	_ = 	snop  }
0x3f: {  	[tilespmem:s18], [sflag:$0x1] =	stream.linear.gather [hbm4b:s3+s2], $0x2000, $0x38;
	[tilespmem:$0x1A000] =	vst v63  }
0x40: {  	_ = 	snop  }
0x41: {  	[tilespmem:s19], [sflag:$0x1] =	stream.linear.gather [hbm4b:s4+s2], $0x2000, $0x38;
	[tilespmem:$0x1A000] =	vst v63  }
0x42: {  	_ = 	snop  }
0x43: {  	[tilespmem:s20], [sflag:$0x1] =	stream.linear.gather [hbm4b:s5+s2], $0x2000, $0x38;
	[tilespmem:$0x1A000] =	vst v63  }
0x44: {  	_ = 	snop  }
0x45: {  	[tilespmem:s21], [sflag:$0x1] =	stream.linear.gather [hbm4b:s6+s2], $0x2000, $0x38;
	[tilespmem:$0x1A000] =	vst v63  }
0x46: {  	_ = 	snop  }
0x47: {  	[tilespmem:s22], [sflag:$0x1] =	stream.linear.gather [hbm4b:s7+s2], $0x2000, $0x38;
	[tilespmem:$0x1A000] =	vst v63  }
0x48: {  	_ = 	snop  }
0x49: {  	[tilespmem:s23], [sflag:$0x1] =	stream.linear.gather [hbm4b:s8+s2], $0x2000, $0x38;
	[tilespmem:$0x1A000] =	vst v63  }
0x4a: {  	_ = 	snop  }
0x4b: {  	[tilespmem:s24], [sflag:$0x1] =	stream.linear.gather [hbm4b:s9+s2], $0x2000, $0x38;
	[tilespmem:$0x1A000] =	vst v63  }
0x4c: {  	_ = 	snop  }
0x4d: {  	[tilespmem:s25], [sflag:$0x1] =	stream.linear.gather [hbm4b:s11+s2], $0x2000, $0x38;
	[tilespmem:$0x1A000] =	vst v63  }
0x4e: {  	_ = 	snop  }
0x4f: {  	[tilespmem:s26], [sflag:$0x1] =	stream.linear.gather [hbm4b:s12+s2], $0x2000, $0x38;
	[tilespmem:$0x1A000] =	vst v63  }
0x50: {  	_ = 	snop  }
0x51: {  	[tilespmem:s28], [sflag:$0x1] =	stream.linear.gather [hbm4b:s15+s2], $0x2000, $0x38;
	[tilespmem:$0x1A000] =	vst v63  }
0x52: {  	_ = 	snop  }
0x53: {  	[tilespmem:s29], [sflag:$0x1] =	stream.linear.gather [hbm4b:s16+s2], $0x2000, $0x38;
	[tilespmem:$0x1A000] =	vst v63  }
0x54: {  	_ = 	snop  }
0x55: {  	[tilespmem:s30], [sflag:$0x1] =	stream.linear.gather [hbm4b:s17+s2], $0x2000, $0x38;
	[tilespmem:$0x1A000] =	vst v63  }
0x56: {  	_ =	swait.ge [sflag:s14], $0x2000  }
0x57: {  	[sflag:s14] =	ssyncset.done $0x0  }
0x58: {  	[sflag:s14] =	ssyncadd.s32 $0xFFFFE000  }
0x59: {  	_ =	swait.ge [sflag:s14], $0x2000  }
0x5a: {  	[sflag:s14] =	ssyncset.done $0x0  }
0x5b: {  	[sflag:s14] =	ssyncadd.s32 $0xFFFFE000  }
0x5c: {  	_ =	swait.ge [sflag:s14], $0x2000  }
0x5d: {  	[sflag:s14] =	ssyncset.done $0x0  }
0x5e: {  	[sflag:s14] =	ssyncadd.s32 $0xFFFFE000  }
0x5f: {  	_ =	swait.ge [sflag:s14], $0x2000  }
0x60: {  	[sflag:s14] =	ssyncset.done $0x0  }
0x61: {  	[sflag:s14] =	ssyncadd.s32 $0xFFFFE000  }
0x62: {  	_ =	swait.ge [sflag:s14], $0x2000  }
0x63: {  	[sflag:s14] =	ssyncset.done $0x0  }
0x64: {  	[sflag:s14] =	ssyncadd.s32 $0xFFFFE000  }
0x65: {  	_ =	swait.ge [sflag:s14], $0x2000  }
0x66: {  	[sflag:s14] =	ssyncset.done $0x0  }
0x67: {  	[sflag:s14] =	ssyncadd.s32 $0xFFFFE000  }
0x68: {  	_ =	swait.ge [sflag:s14], $0x2000  }
0x69: {  	[sflag:s14] =	ssyncset.done $0x0  }
0x6a: {  	[sflag:s14] =	ssyncadd.s32 $0xFFFFE000  }
0x6b: {  	_ =	swait.ge [sflag:s14], $0x2000  }
0x6c: {  	[sflag:s14] =	ssyncset.done $0x0  }
0x6d: {  	[sflag:s14] =	ssyncadd.s32 $0xFFFFE000  }
0x6e: {  	_ =	swait.ge [sflag:s14], $0x2000  }
0x6f: {  	[sflag:s14] =	ssyncset.done $0x0  }
0x70: {  	[sflag:s14] =	ssyncadd.s32 $0xFFFFE000  }
0x71: {  	_ =	swait.ge [sflag:s14], $0x2000  }
0x72: {  	[sflag:s14] =	ssyncset.done $0x0  }
0x73: {  	[sflag:s14] =	ssyncadd.s32 $0xFFFFE000  }
0x74: {  	_ =	swait.ge [sflag:s14], $0x2000  }
0x75: {  	[sflag:s14] =	ssyncset.done $0x0  }
0x76: {  	[sflag:s14] =	ssyncadd.s32 $0xFFFFE000  }
0x77: {  	_ =	swait.ge [sflag:s14], $0x2000  }
0x78: {  	[sflag:s14] =	ssyncset.done $0x0  }
0x79: {  	[sflag:s14] =	ssyncadd.s32 $0xFFFFE000  }
0x7a: {  	p1 =	sne.s32 s31, $0x1;
	_ =	swait.ge [sflag:s14], $0x2000  }
.Ltmp1:
0x7b: {  	[sflag:s14] =	ssyncset.done $0x0;
	(pc) =	sbr.rel @!p1 .LBB2_3-.Ltmp1, $4  }
0x7c: {  	[sflag:s14] =	ssyncadd.s32 $0xFFFFE000  }
0x7d: {  	[hbm4b:s10+s2] =	stream.linear.scatter [tilespmem:s2], [sflag:$0x2], $0x1A000, $0x38;
	[tilespmem:$0x1A000] =	vst v63  }
0x7e: {  	s31 =	sadd.s32 $0xFFFFFFFF, s31;
	_ =	swait.ge [sflag:s13], $0x1A000  }
0x7f: {  	p0 =	por $0x1, $0x1;
	s1 =	rddreg [dreg:$0x3];
	[sflag:s13] =	ssyncset.done $0x0  }
.LBB2_2:
0x80: {  	[sflag:s13] =	ssyncadd.s32 $0xFFFE6000  }
0x81: {  	[tilespmem:s2], [sflag:$0x1] =	stream.linear.gather [hbm4b:s1+s2], $0x2000, $0x38;
	[tilespmem:$0x1A000] =	vst v63  }
0x82: {  	_ = 	snop  }
0x83: {  	[tilespmem:s18], [sflag:$0x1] =	stream.linear.gather [hbm4b:s3+s2], $0x2000, $0x38;
	[tilespmem:$0x1A000] =	vst v63  }
0x84: {  	_ = 	snop  }
0x85: {  	[tilespmem:s19], [sflag:$0x1] =	stream.linear.gather [hbm4b:s4+s2], $0x2000, $0x38;
	[tilespmem:$0x1A000] =	vst v63  }
0x86: {  	_ = 	snop  }
0x87: {  	[tilespmem:s20], [sflag:$0x1] =	stream.linear.gather [hbm4b:s5+s2], $0x2000, $0x38;
	[tilespmem:$0x1A000] =	vst v63  }
0x88: {  	_ = 	snop  }
0x89: {  	[tilespmem:s21], [sflag:$0x1] =	stream.linear.gather [hbm4b:s6+s2], $0x2000, $0x38;
	[tilespmem:$0x1A000] =	vst v63  }
0x8a: {  	_ = 	snop  }
0x8b: {  	[tilespmem:s22], [sflag:$0x1] =	stream.linear.gather [hbm4b:s7+s2], $0x2000, $0x38;
	[tilespmem:$0x1A000] =	vst v63  }
0x8c: {  	_ = 	snop  }
0x8d: {  	[tilespmem:s23], [sflag:$0x1] =	stream.linear.gather [hbm4b:s8+s2], $0x2000, $0x38;
	[tilespmem:$0x1A000] =	vst v63  }
0x8e: {  	_ = 	snop  }
0x8f: {  	[tilespmem:s24], [sflag:$0x1] =	stream.linear.gather [hbm4b:s9+s2], $0x2000, $0x38;
	[tilespmem:$0x1A000] =	vst v63  }
0x90: {  	_ = 	snop  }
0x91: {  	[tilespmem:s25], [sflag:$0x1] =	stream.linear.gather [hbm4b:s11+s2], $0x2000, $0x38;
	[tilespmem:$0x1A000] =	vst v63  }
0x92: {  	_ = 	snop  }
0x93: {  	[tilespmem:s26], [sflag:$0x1] =	stream.linear.gather [hbm4b:s12+s2], $0x2000, $0x38;
	[tilespmem:$0x1A000] =	vst v63  }
0x94: {  	_ = 	snop  }
0x95: {  	[tilespmem:s28], [sflag:$0x1] =	stream.linear.gather [hbm4b:s15+s2], $0x2000, $0x38;
	[tilespmem:$0x1A000] =	vst v63  }
0x96: {  	_ = 	snop  }
0x97: {  	[tilespmem:s29], [sflag:$0x1] =	stream.linear.gather [hbm4b:s16+s2], $0x2000, $0x38;
	[tilespmem:$0x1A000] =	vst v63  }
0x98: {  	_ = 	snop  }
0x99: {  	[tilespmem:s30], [sflag:$0x1] =	stream.linear.gather [hbm4b:s17+s2], $0x2000, $0x38;
	[tilespmem:$0x1A000] =	vst v63  }
0x9a: {  	_ =	swait.ge [sflag:s14], $0x2000  }
0x9b: {  	[sflag:s14] =	ssyncset.done $0x0  }
0x9c: {  	[sflag:s14] =	ssyncadd.s32 $0xFFFFE000  }
0x9d: {  	_ =	swait.ge [sflag:s14], $0x2000  }
0x9e: {  	[sflag:s14] =	ssyncset.done $0x0  }
0x9f: {  	[sflag:s14] =	ssyncadd.s32 $0xFFFFE000  }
0xa0: {  	_ =	swait.ge [sflag:s14], $0x2000  }
0xa1: {  	[sflag:s14] =	ssyncset.done $0x0  }
0xa2: {  	[sflag:s14] =	ssyncadd.s32 $0xFFFFE000  }
0xa3: {  	_ =	swait.ge [sflag:s14], $0x2000  }
0xa4: {  	[sflag:s14] =	ssyncset.done $0x0  }
0xa5: {  	[sflag:s14] =	ssyncadd.s32 $0xFFFFE000  }
0xa6: {  	_ =	swait.ge [sflag:s14], $0x2000  }
0xa7: {  	[sflag:s14] =	ssyncset.done $0x0  }
0xa8: {  	[sflag:s14] =	ssyncadd.s32 $0xFFFFE000  }
0xa9: {  	_ =	swait.ge [sflag:s14], $0x2000  }
0xaa: {  	[sflag:s14] =	ssyncset.done $0x0  }
0xab: {  	[sflag:s14] =	ssyncadd.s32 $0xFFFFE000  }
0xac: {  	_ =	swait.ge [sflag:s14], $0x2000  }
0xad: {  	[sflag:s14] =	ssyncset.done $0x0  }
0xae: {  	[sflag:s14] =	ssyncadd.s32 $0xFFFFE000  }
0xaf: {  	_ =	swait.ge [sflag:s14], $0x2000  }
0xb0: {  	[sflag:s14] =	ssyncset.done $0x0  }
0xb1: {  	[sflag:s14] =	ssyncadd.s32 $0xFFFFE000  }
0xb2: {  	_ =	swait.ge [sflag:s14], $0x2000  }
0xb3: {  	[sflag:s14] =	ssyncset.done $0x0  }
0xb4: {  	[sflag:s14] =	ssyncadd.s32 $0xFFFFE000  }
0xb5: {  	_ =	swait.ge [sflag:s14], $0x2000  }
0xb6: {  	[sflag:s14] =	ssyncset.done $0x0  }
0xb7: {  	[sflag:s14] =	ssyncadd.s32 $0xFFFFE000  }
0xb8: {  	_ =	swait.ge [sflag:s14], $0x2000  }
0xb9: {  	[sflag:s14] =	ssyncset.done $0x0  }
0xba: {  	[sflag:s14] =	ssyncadd.s32 $0xFFFFE000  }
0xbb: {  	_ =	swait.ge [sflag:s14], $0x2000  }
0xbc: {  	[sflag:s14] =	ssyncset.done $0x0  }
0xbd: {  	[sflag:s14] =	ssyncadd.s32 $0xFFFFE000  }
0xbe: {  	p1 =	sne.s32 s31, $0x1;
	_ =	swait.ge [sflag:s14], $0x2000  }
.Ltmp2:
0xbf: {  	[sflag:s14] =	ssyncset.done $0x0;
	(pc) =	sbr.rel @p1 .LBB2_2-.Ltmp2, $4  }
0xc0: {  	[sflag:s14] =	ssyncadd.s32 $0xFFFFE000  }
0xc1: {  	[hbm4b:s10+s2] =	stream.linear.scatter [tilespmem:s2], [sflag:$0x2], $0x1A000, $0x38;
	[tilespmem:$0x1A000] =	vst v63  }
0xc2: {  	_ =	swait.ge [sflag:s13], $0x1A000  }
0xc3: {  	s31 =	sadd.s32 $0xFFFFFFFF, s31;
	s1 =	rddreg [dreg:$0x3];
	[sflag:s13] =	ssyncset.done $0x0  }
.LBB2_3:
0xc4: {  	[sflag:s13] =	ssyncadd.s32 @p0 $0xFFFE6000  }
0xc5: {  	[tilespmem:s2], [sflag:$0x1] =	stream.linear.gather [hbm4b:s1+s2], $0x2000, $0x38;
	[tilespmem:$0x1A000] =	vst v63  }
0xc6: {  	_ = 	snop  }
0xc7: {  	[tilespmem:s18], [sflag:$0x1] =	stream.linear.gather [hbm4b:s3+s2], $0x2000, $0x38;
	[tilespmem:$0x1A000] =	vst v63  }
0xc8: {  	_ = 	snop  }
0xc9: {  	[tilespmem:s19], [sflag:$0x1] =	stream.linear.gather [hbm4b:s4+s2], $0x2000, $0x38;
	[tilespmem:$0x1A000] =	vst v63  }
0xca: {  	_ = 	snop  }
0xcb: {  	[tilespmem:s20], [sflag:$0x1] =	stream.linear.gather [hbm4b:s5+s2], $0x2000, $0x38;
	[tilespmem:$0x1A000] =	vst v63  }
0xcc: {  	_ = 	snop  }
0xcd: {  	[tilespmem:s21], [sflag:$0x1] =	stream.linear.gather [hbm4b:s6+s2], $0x2000, $0x38;
	[tilespmem:$0x1A000] =	vst v63  }
0xce: {  	_ = 	snop  }
0xcf: {  	[tilespmem:s22], [sflag:$0x1] =	stream.linear.gather [hbm4b:s7+s2], $0x2000, $0x38;
	[tilespmem:$0x1A000] =	vst v63  }
0xd0: {  	_ = 	snop  }
0xd1: {  	[tilespmem:s23], [sflag:$0x1] =	stream.linear.gather [hbm4b:s8+s2], $0x2000, $0x38;
	[tilespmem:$0x1A000] =	vst v63  }
0xd2: {  	_ = 	snop  }
0xd3: {  	[tilespmem:s24], [sflag:$0x1] =	stream.linear.gather [hbm4b:s9+s2], $0x2000, $0x38;
	[tilespmem:$0x1A000] =	vst v63  }
0xd4: {  	_ = 	snop  }
0xd5: {  	[tilespmem:s25], [sflag:$0x1] =	stream.linear.gather [hbm4b:s11+s2], $0x2000, $0x38;
	[tilespmem:$0x1A000] =	vst v63  }
0xd6: {  	_ = 	snop  }
0xd7: {  	[tilespmem:s26], [sflag:$0x1] =	stream.linear.gather [hbm4b:s12+s2], $0x2000, $0x38;
	[tilespmem:$0x1A000] =	vst v63  }
0xd8: {  	_ = 	snop  }
0xd9: {  	[tilespmem:s28], [sflag:$0x1] =	stream.linear.gather [hbm4b:s15+s2], $0x2000, $0x38;
	[tilespmem:$0x1A000] =	vst v63  }
0xda: {  	_ = 	snop  }
0xdb: {  	[tilespmem:s29], [sflag:$0x1] =	stream.linear.gather [hbm4b:s16+s2], $0x2000, $0x38;
	[tilespmem:$0x1A000] =	vst v63  }
0xdc: {  	_ = 	snop  }
0xdd: {  	[tilespmem:s30], [sflag:$0x1] =	stream.linear.gather [hbm4b:s17+s2], $0x2000, $0x38;
	[tilespmem:$0x1A000] =	vst v63  }
0xde: {  	_ =	swait.ge [sflag:s14], $0x2000  }
0xdf: {  	[sflag:s14] =	ssyncset.done $0x0  }
0xe0: {  	[sflag:s14] =	ssyncadd.s32 $0xFFFFE000  }
0xe1: {  	_ =	swait.ge [sflag:s14], $0x2000  }
0xe2: {  	[sflag:s14] =	ssyncset.done $0x0  }
0xe3: {  	[sflag:s14] =	ssyncadd.s32 $0xFFFFE000  }
0xe4: {  	_ =	swait.ge [sflag:s14], $0x2000  }
0xe5: {  	[sflag:s14] =	ssyncset.done $0x0  }
0xe6: {  	[sflag:s14] =	ssyncadd.s32 $0xFFFFE000  }
0xe7: {  	_ =	swait.ge [sflag:s14], $0x2000  }
0xe8: {  	[sflag:s14] =	ssyncset.done $0x0  }
0xe9: {  	[sflag:s14] =	ssyncadd.s32 $0xFFFFE000  }
0xea: {  	_ =	swait.ge [sflag:s14], $0x2000  }
0xeb: {  	[sflag:s14] =	ssyncset.done $0x0  }
0xec: {  	[sflag:s14] =	ssyncadd.s32 $0xFFFFE000  }
0xed: {  	_ =	swait.ge [sflag:s14], $0x2000  }
0xee: {  	[sflag:s14] =	ssyncset.done $0x0  }
0xef: {  	[sflag:s14] =	ssyncadd.s32 $0xFFFFE000  }
0xf0: {  	_ =	swait.ge [sflag:s14], $0x2000  }
0xf1: {  	[sflag:s14] =	ssyncset.done $0x0  }
0xf2: {  	[sflag:s14] =	ssyncadd.s32 $0xFFFFE000  }
0xf3: {  	_ =	swait.ge [sflag:s14], $0x2000  }
0xf4: {  	[sflag:s14] =	ssyncset.done $0x0  }
0xf5: {  	[sflag:s14] =	ssyncadd.s32 $0xFFFFE000  }
0xf6: {  	_ =	swait.ge [sflag:s14], $0x2000  }
0xf7: {  	[sflag:s14] =	ssyncset.done $0x0  }
0xf8: {  	[sflag:s14] =	ssyncadd.s32 $0xFFFFE000  }
0xf9: {  	_ =	swait.ge [sflag:s14], $0x2000  }
0xfa: {  	[sflag:s14] =	ssyncset.done $0x0  }
0xfb: {  	[sflag:s14] =	ssyncadd.s32 $0xFFFFE000  }
0xfc: {  	_ =	swait.ge [sflag:s14], $0x2000  }
0xfd: {  	[sflag:s14] =	ssyncset.done $0x0  }
0xfe: {  	[sflag:s14] =	ssyncadd.s32 $0xFFFFE000  }
0xff: {  	_ =	swait.ge [sflag:s14], $0x2000  }
0x100: {  	[sflag:s14] =	ssyncset.done $0x0  }
0x101: {  	[sflag:s14] =	ssyncadd.s32 $0xFFFFE000  }
0x102: {  	_ =	swait.ge [sflag:s14], $0x2000  }
0x103: {  	[sflag:s14] =	ssyncset.done $0x0  }
0x104: {  	[sflag:s14] =	ssyncadd.s32 $0xFFFFE000  }
0x105: {  	[hbm4b:s10+s2] =	stream.linear.scatter [tilespmem:s2], [sflag:$0x2], $0x1A000, $0x38;
	[tilespmem:$0x1A000] =	vst v63  }
0x106: {  	_ =	swait.ge [sflag:s13], $0x1A000  }
0x107: {  	[sflag:s13] =	ssyncset.done $0x0  }
0x108: {  	[sflag:s13] =	ssyncadd.s32 $0xFFFE6000  }
0x109: {  	_ =	sfence.sel $0x180000  }
0x10a: {  	[bflag:$0x0] =	sbarrier.arrive $0xFFFF  }
0x10b: {  	_ =	strace $0x90000047  }
0x10c: {  	[bflag:$0x2] =	sbarrier.arrive $0xFFFF  }
0x10d: {  	p0 =	sne.s32 s0, $0x0;
	s0 =	rddreg [dreg:$0x2]  }
0x10e: {  	s0 =	sadd.s32 @!p0 $0x100000, s0  }
0x10f: {  	[sflag:s0] =	ssyncadd.tile.s32 @!p0 $0x1;
	_ =	shalt  }
.Lfunc_end2:
_tile_overlayer_lowered:
.L_overlay_start_2:
0x110: {  	(tag) =	ssettag $0x2  }
0x111: {  	s0 =	rddreg [dreg:$0x0];
	s2 =	stileid.u32  }
0x112: {  	s1 =	rddreg [dreg:$0x1];
	p0 =	sne.s32 s2, $0x0  }
0x113: {  	s3 =	rddreg [dreg:$0x2];
	[bflag:$0x3] =	sbarrier.arrive $0xFFFF;
	s2 =	simm.s32 @!p0 $0x1C03  }
0x114: {  	[timem:s3], [sflag:s2] =	dma.local @!p0 [hbm:s0], s1  }
0x115: {  	s0 =	simm.s32 @!p0 $0x3  }
0x116: {  	_ =	swait.ge @!p0 [sflag:s0], s1  }
0x117: {  	s1 =	ssub.s32 @!p0 $0x0, s1;
	[sflag:s0] =	ssyncset.done @!p0 $0x0  }
0x118: {  	[sflag:s0] =	ssyncadd.s32 @!p0 s1  }
0x119: {  	[bflag:$0x3] =	sbarrier.arrive $0xFFFF  }
0x11a: {  	_ =	shalt  }

</sc_bundles>
